<compile_context>
chip_gen: v7x
topology: tpu7x:2x2x1
jax: 0.10.2.dev20260603
libtpu: 0.0.44.dev20260713+nightly
codegen_flags: <defaults>
</compile_context>

<pallas_src>
import functools

import jax
import jax.numpy as jnp
from jax import lax
from jax.experimental import pallas as pl
from jax.experimental.pallas import tpu as pltpu
from jax.experimental.pallas import tpu_sc as plsc

N = 10000
E = 320000
D_IN = 128
D_OUT = 256

NC = 2
NS = 16
NW = NC * NS
EPW = E // NW
CH = 80
NCHUNK = EPW // CH
RPT = 624
ZB = 16


def _hist_body(idx_hbm, out_hbm, src_v, dst_v, hs_v, hd_v):
    cid = lax.axis_index("c")
    sid = lax.axis_index("s")
    wid = sid * NC + cid

    pltpu.sync_copy(idx_hbm.at[wid, 0], src_v)
    pltpu.sync_copy(idx_hbm.at[wid, 1], dst_v)

    zeros = jnp.zeros((16,), jnp.float32)

    def zero_body(i, _):
        hs_v[pl.ds(i * 16, 16)] = zeros
        hd_v[pl.ds(i * 16, 16)] = zeros
        return 0

    lax.fori_loop(0, N // 16, zero_body, 0)

    ones = jnp.ones((16,), jnp.float32)

    def hist_body(i, _):
        s_idx = src_v[pl.ds(i * 16, 16)]
        d_idx = dst_v[pl.ds(i * 16, 16)]
        plsc.addupdate_scatter(hs_v, [s_idx], ones)
        plsc.addupdate_scatter(hd_v, [d_idx], ones)
        return 0

    lax.fori_loop(0, EPW // 16, hist_body, 0)

    pltpu.sync_copy(hs_v, out_hbm.at[wid, 0])
    pltpu.sync_copy(hd_v, out_hbm.at[wid, 1])


_hist = pl.kernel(
    _hist_body,
    out_type=jax.ShapeDtypeStruct((NW, 2, N), jnp.float32),
    compiler_params=pltpu.CompilerParams(needs_layout_passes=False),
    mesh=plsc.VectorSubcoreMesh(core_axis_name="c", subcore_axis_name="s"),
    scratch_types=[
        pltpu.VMEM((EPW,), jnp.int32),
        pltpu.VMEM((EPW,), jnp.int32),
        pltpu.VMEM((N,), jnp.float32),
        pltpu.VMEM((N,), jnp.float32),
    ],
)


def _scale_body(x_ref, cnt_ref, o_ref):
    deg = jnp.sum(cnt_ref[...], axis=1, keepdims=True)
    scale = lax.rsqrt(jnp.maximum(deg, 1.0))
    o_ref[...] = x_ref[...] * scale


_BLK = 2000


def _scale_x(x, cnt_t):
    return pl.pallas_call(
        _scale_body,
        grid=(N // _BLK,),
        in_specs=[
            pl.BlockSpec((_BLK, D_IN), lambda i: (i, 0)),
            pl.BlockSpec((_BLK, NW), lambda i: (i, 0)),
        ],
        out_specs=pl.BlockSpec((_BLK, D_IN), lambda i: (i, 0)),
        out_shape=jax.ShapeDtypeStruct((N, D_IN), jnp.float32),
    )(x, cnt_t)


def _agg_body(xn_hbm, src_hbm, dst_hbm, out_hbm, src_v, dst_v, rows_v, zb_v,
              agg_s, sem):
    cid = lax.axis_index("c")
    sid = lax.axis_index("s")
    wid = sid * NC + cid

    pltpu.sync_copy(src_hbm.at[wid], src_v)
    pltpu.sync_copy(dst_hbm.at[wid], dst_v)

    zeros = jnp.zeros((16,), jnp.float32)
    for i in range(ZB):
        for j in range(D_IN // 16):
            zb_v[i, pl.ds(j * 16, 16)] = zeros

    def zagg(k, _):
        pltpu.sync_copy(zb_v, agg_s.at[pl.ds(sid * RPT + k * ZB, ZB)])
        return 0

    lax.fori_loop(0, RPT // ZB, zagg, 0)

    @pl.when(sid == NS - 1)
    def _():
        pltpu.sync_copy(zb_v, agg_s.at[pl.ds(NS * RPT, ZB)])

    plsc.subcore_barrier()

    def chunk_body(c, _):
        pltpu.async_copy(xn_hbm.at[src_v.at[c]], rows_v, sem).wait()
        pltpu.sync_copy(rows_v, agg_s.at[dst_v.at[c]], add=True)
        return 0

    lax.fori_loop(0, NCHUNK, chunk_body, 0)
    plsc.subcore_barrier()

    r0 = sid * RPT
    pltpu.sync_copy(agg_s.at[pl.ds(r0, RPT)],
                    out_hbm.at[cid, pl.ds(r0, RPT)])

    @pl.when(sid == NS - 1)
    def _():
        pltpu.sync_copy(agg_s.at[pl.ds(NS * RPT, ZB)],
                        out_hbm.at[cid, pl.ds(NS * RPT, ZB)])


_agg = pl.kernel(
    _agg_body,
    out_type=jax.ShapeDtypeStruct((NC, N, D_IN), jnp.float32),
    compiler_params=pltpu.CompilerParams(needs_layout_passes=False),
    mesh=plsc.VectorSubcoreMesh(core_axis_name="c", subcore_axis_name="s"),
    scratch_types=[
        pltpu.VMEM((NCHUNK, CH), jnp.int32),
        pltpu.VMEM((NCHUNK, CH), jnp.int32),
        pltpu.VMEM((CH, D_IN), jnp.float32),
        pltpu.VMEM((ZB, D_IN), jnp.float32),
        pltpu.VMEM_SHARED((N, D_IN), jnp.float32),
        pltpu.SemaphoreType.DMA,
    ],
)


def _final_body(parts_ref, cnt_ref, w_ref, b_ref, o_ref):
    agg = parts_ref[0, :, :] + parts_ref[1, :, :]
    deg = jnp.sum(cnt_ref[...], axis=1, keepdims=True)
    scale = lax.rsqrt(jnp.maximum(deg, 1.0))
    acc = jnp.dot(agg * scale, w_ref[...], preferred_element_type=jnp.float32)
    o_ref[...] = jnp.maximum(acc + b_ref[...], 0.0)


def _final(parts, cnt_t, W, b2):
    return pl.pallas_call(
        _final_body,
        grid=(N // _BLK,),
        in_specs=[
            pl.BlockSpec((NC, _BLK, D_IN), lambda i: (0, i, 0)),
            pl.BlockSpec((_BLK, NW), lambda i: (i, 0)),
            pl.BlockSpec((D_IN, D_OUT), lambda i: (0, 0)),
            pl.BlockSpec((1, D_OUT), lambda i: (0, 0)),
        ],
        out_specs=pl.BlockSpec((_BLK, D_OUT), lambda i: (i, 0)),
        out_shape=jax.ShapeDtypeStruct((N, D_OUT), jnp.float32),
    )(parts, cnt_t, W, b2)


@jax.jit
def kernel(x, edge_index, W, b):
    idx_w = edge_index.reshape(2, NW, EPW).transpose(1, 0, 2)
    counts = _hist(idx_w)
    cnt_src_t = counts[:, 0, :].T
    cnt_dst_t = counts[:, 1, :].T
    x_norm = _scale_x(x, cnt_src_t)
    src_rs = edge_index[0].reshape(NW, NCHUNK, CH)
    dst_rs = edge_index[1].reshape(NW, NCHUNK, CH)
    parts = _agg(x_norm, src_rs, dst_rs)
    return _final(parts, cnt_dst_t, W, b.reshape(1, D_OUT))

# --- scband reference (transcript-rebuilt; emitter-appended) ---
"""Pipeline reference for scband-graph-conv-24154896073100 (READ-ONLY COPY).

The authoritative reference and input builder live on the scoring server;
editing this copy changes nothing except your own understanding.
"""

import jax, jax.numpy as jnp
import numpy as np

N_NODES = 10000
N_EDGES = 320000
D_IN = 128
D_OUT = 256


def setup_inputs(seed: int = 0) -> dict:
    key = jax.random.key(seed)
    k1, k2, k3 = jax.random.split(key, 3)
    x = jax.random.normal(k1, (N_NODES, D_IN), dtype=jnp.float32)
    edge_index = jax.random.randint(k2, (2, N_EDGES), 0, N_NODES, dtype=jnp.int32)
    # dgl GraphConv learned params: weight [in_dim, out_dim] (xavier), bias [out_dim] (zeros)
    limit = np.sqrt(6.0 / (D_IN + D_OUT))
    W = jax.random.uniform(k3, (D_IN, D_OUT), dtype=jnp.float32, minval=-limit, maxval=limit)
    b = jnp.zeros((D_OUT,), dtype=jnp.float32)
    return {"x": x, "edge_index": edge_index, "W": W, "b": b}


def reference(x, edge_index, W, b):
    # dgl.nn.GraphConv with default norm='both':
    # h = D_out^{-1/2} x ; aggregate sum over in-edges ; h = D_in^{-1/2} h ; h = h @ W + b
    src = edge_index[0]
    dst = edge_index[1]
    deg_out = jnp.maximum(jnp.bincount(src, length=N_NODES).astype(x.dtype), 1.0)
    deg_in = jnp.maximum(jnp.bincount(dst, length=N_NODES).astype(x.dtype), 1.0)
    h = x * (deg_out ** -0.5)[:, None]
    msg = jnp.take(h, src, axis=0)
    agg = jax.ops.segment_sum(msg, dst, num_segments=N_NODES)
    agg = agg * (deg_in ** -0.5)[:, None]
    out = agg @ W + b
    # self.layers: only ReLU (batchnorm=False, dropout=False, activation='relu')
    return jax.nn.relu(out)

if __name__ == "__main__":
    import jax
    _d = setup_inputs()
    print(jax.jit(kernel)(*tuple(_d.values())))

</pallas_src>

<mosaic_0001>
#map = affine_map<(d0, d1) -> (0, 0)>
#map1 = affine_map<(d0, d1) -> (0, 0, 0)>
module attributes {stable_mosaic.version = 14 : i64} {
  func.func @_agg_body(%arg0: i32, %arg1: i32, %arg2: memref<10000x128xf32, #tpu.memory_space<hbm>>, %arg3: memref<32x125x80xi32, #tpu.memory_space<hbm>>, %arg4: memref<32x125x80xi32, #tpu.memory_space<hbm>>, %arg5: memref<2x10000x128xf32, #tpu.memory_space<hbm>>, %arg6: memref<125x80xi32, #tpu.memory_space<vmem>>, %arg7: memref<125x80xi32, #tpu.memory_space<vmem>>, %arg8: memref<80x128xf32, #tpu.memory_space<vmem>>, %arg9: memref<16x128xf32, #tpu.memory_space<vmem>>, %arg10: memref<10000x128xf32, #tpu.memory_space<vmem_shared>>, %arg11: memref<!tpu.dma_semaphore, #tpu.memory_space<semaphore_mem>>) attributes {dimension_semantics = [#tpu.dimension_semantics<core_parallel>, #tpu.dimension_semantics<subcore_parallel>], iteration_bounds = array<i64: 2, 16>, scalar_prefetch = 0 : i64, scratch_operands = 6 : i64, tpu.core_type = #tpu.core_type<sc_vector_subcore>, window_params = [{transform_indices = #map}, {transform_indices = #map1}, {transform_indices = #map1}, {transform_indices = #map1}]} {
    %mul3A = arith.constant 2 : i32
    %mul3A_0 = arith.muli %arg1, %mul3A : i32
    %add3A = arith.addi %mul3A_0, %arg0 : i32
    "tpu.region"() ({
      %run_scoped3A = tpu.sem_alloc : memref<!tpu.dma_semaphore, #tpu.memory_space<semaphore_mem>>
      %dma_start3A = arith.constant 0 : i32
      %dma_start3A_536 = arith.constant 0 : i32
      %dma_start3A_537 = tpu.memref_slice %arg3[%add3A, %dma_start3A, %dma_start3A_536] : memref<32x125x80xi32, #tpu.memory_space<hbm>> -> memref<1x125x80xi32, #tpu.memory_space<hbm>>
      %dma_start3A_538 = tpu.memref_squeeze %dma_start3A_537 : memref<1x125x80xi32, #tpu.memory_space<hbm>> -> memref<125x80xi32, #tpu.memory_space<hbm>>
      %dma_start3A_539 = arith.constant 0 : i32
      %dma_start3A_540 = arith.constant 0 : i32
      %dma_start3A_541 = tpu.memref_slice %arg3[%add3A, %dma_start3A_539, %dma_start3A_540] : memref<32x125x80xi32, #tpu.memory_space<hbm>> -> memref<1x125x80xi32, #tpu.memory_space<hbm>>
      %dma_start3A_542 = tpu.memref_squeeze %dma_start3A_541 : memref<1x125x80xi32, #tpu.memory_space<hbm>> -> memref<125x80xi32, #tpu.memory_space<hbm>>
      tpu.enqueue_dma source(%dma_start3A_542 : memref<125x80xi32, #tpu.memory_space<hbm>>) target(%arg6 : memref<125x80xi32, #tpu.memory_space<vmem>>) target_semaphore(%run_scoped3A : memref<!tpu.dma_semaphore, #tpu.memory_space<semaphore_mem>>)
      %dma_wait3A = arith.constant 0 : i32
      %dma_wait3A_543 = arith.constant 0 : i32
      %dma_wait3A_544 = tpu.memref_slice %arg3[%add3A, %dma_wait3A, %dma_wait3A_543] : memref<32x125x80xi32, #tpu.memory_space<hbm>> -> memref<1x125x80xi32, #tpu.memory_space<hbm>>
      %dma_wait3A_545 = tpu.memref_squeeze %dma_wait3A_544 : memref<1x125x80xi32, #tpu.memory_space<hbm>> -> memref<125x80xi32, #tpu.memory_space<hbm>>
      %dma_wait3A_546 = arith.constant 0 : i32
      %dma_wait3A_547 = arith.constant 0 : i32
      %dma_wait3A_548 = tpu.memref_slice %arg3[%add3A, %dma_wait3A_546, %dma_wait3A_547] : memref<32x125x80xi32, #tpu.memory_space<hbm>> -> memref<1x125x80xi32, #tpu.memory_space<hbm>>
      %dma_wait3A_549 = tpu.memref_squeeze %dma_wait3A_548 : memref<1x125x80xi32, #tpu.memory_space<hbm>> -> memref<125x80xi32, #tpu.memory_space<hbm>>
      tpu.wait_dma2 semaphore(%run_scoped3A : memref<!tpu.dma_semaphore, #tpu.memory_space<semaphore_mem>>) src(%dma_wait3A_549 : memref<125x80xi32, #tpu.memory_space<hbm>>) dst(%arg6 : memref<125x80xi32, #tpu.memory_space<vmem>>)
      tpu.yield
    }) : () -> ()
    "tpu.region"() ({
      %run_scoped3A = tpu.sem_alloc : memref<!tpu.dma_semaphore, #tpu.memory_space<semaphore_mem>>
      %dma_start3A = arith.constant 0 : i32
      %dma_start3A_536 = arith.constant 0 : i32
      %dma_start3A_537 = tpu.memref_slice %arg4[%add3A, %dma_start3A, %dma_start3A_536] : memref<32x125x80xi32, #tpu.memory_space<hbm>> -> memref<1x125x80xi32, #tpu.memory_space<hbm>>
      %dma_start3A_538 = tpu.memref_squeeze %dma_start3A_537 : memref<1x125x80xi32, #tpu.memory_space<hbm>> -> memref<125x80xi32, #tpu.memory_space<hbm>>
      %dma_start3A_539 = arith.constant 0 : i32
      %dma_start3A_540 = arith.constant 0 : i32
      %dma_start3A_541 = tpu.memref_slice %arg4[%add3A, %dma_start3A_539, %dma_start3A_540] : memref<32x125x80xi32, #tpu.memory_space<hbm>> -> memref<1x125x80xi32, #tpu.memory_space<hbm>>
      %dma_start3A_542 = tpu.memref_squeeze %dma_start3A_541 : memref<1x125x80xi32, #tpu.memory_space<hbm>> -> memref<125x80xi32, #tpu.memory_space<hbm>>
      tpu.enqueue_dma source(%dma_start3A_542 : memref<125x80xi32, #tpu.memory_space<hbm>>) target(%arg7 : memref<125x80xi32, #tpu.memory_space<vmem>>) target_semaphore(%run_scoped3A : memref<!tpu.dma_semaphore, #tpu.memory_space<semaphore_mem>>)
      %dma_wait3A = arith.constant 0 : i32
      %dma_wait3A_543 = arith.constant 0 : i32
      %dma_wait3A_544 = tpu.memref_slice %arg4[%add3A, %dma_wait3A, %dma_wait3A_543] : memref<32x125x80xi32, #tpu.memory_space<hbm>> -> memref<1x125x80xi32, #tpu.memory_space<hbm>>
      %dma_wait3A_545 = tpu.memref_squeeze %dma_wait3A_544 : memref<1x125x80xi32, #tpu.memory_space<hbm>> -> memref<125x80xi32, #tpu.memory_space<hbm>>
      %dma_wait3A_546 = arith.constant 0 : i32
      %dma_wait3A_547 = arith.constant 0 : i32
      %dma_wait3A_548 = tpu.memref_slice %arg4[%add3A, %dma_wait3A_546, %dma_wait3A_547] : memref<32x125x80xi32, #tpu.memory_space<hbm>> -> memref<1x125x80xi32, #tpu.memory_space<hbm>>
      %dma_wait3A_549 = tpu.memref_squeeze %dma_wait3A_548 : memref<1x125x80xi32, #tpu.memory_space<hbm>> -> memref<125x80xi32, #tpu.memory_space<hbm>>
      tpu.wait_dma2 semaphore(%run_scoped3A : memref<!tpu.dma_semaphore, #tpu.memory_space<semaphore_mem>>) src(%dma_wait3A_549 : memref<125x80xi32, #tpu.memory_space<hbm>>) dst(%arg7 : memref<125x80xi32, #tpu.memory_space<vmem>>)
      tpu.yield
    }) : () -> ()
    %broadcast_in_dim3A = arith.constant 0.000000e+00 : f32
    %broadcast_in_dim3A_1 = vector.broadcast %broadcast_in_dim3A : f32 to vector<16xf32>
    %swap3A = arith.constant 0 : i32
    %swap3A_2 = arith.index_cast %swap3A : i32 to index
    %swap3A_3 = arith.constant 0 : index
    %swap3A_4 = tpu.vector_load %arg9[%swap3A_2, %swap3A_3] {strides = array<i32>} : memref<16x128xf32, #tpu.memory_space<vmem>>, vector<16xf32>,
    tpu.vector_store %arg9[%swap3A_2, %swap3A_3], %broadcast_in_dim3A_1 {strides = array<i32>} : memref<16x128xf32, #tpu.memory_space<vmem>>, vector<16xf32>,
    %swap3A_5 = arith.constant 0 : i32
    %swap3A_6 = arith.index_cast %swap3A_5 : i32 to index
    %swap3A_7 = arith.constant 16 : index
    %swap3A_8 = tpu.vector_load %arg9[%swap3A_6, %swap3A_7] {strides = array<i32>} : memref<16x128xf32, #tpu.memory_space<vmem>>, vector<16xf32>,
    tpu.vector_store %arg9[%swap3A_6, %swap3A_7], %broadcast_in_dim3A_1 {strides = array<i32>} : memref<16x128xf32, #tpu.memory_space<vmem>>, vector<16xf32>,
    %swap3A_9 = arith.constant 0 : i32
    %swap3A_10 = arith.index_cast %swap3A_9 : i32 to index
    %swap3A_11 = arith.constant 32 : index
    %swap3A_12 = tpu.vector_load %arg9[%swap3A_10, %swap3A_11] {strides = array<i32>} : memref<16x128xf32, #tpu.memory_space<vmem>>, vector<16xf32>,
    tpu.vector_store %arg9[%swap3A_10, %swap3A_11], %broadcast_in_dim3A_1 {strides = array<i32>} : memref<16x128xf32, #tpu.memory_space<vmem>>, vector<16xf32>,
    %swap3A_13 = arith.constant 0 : i32
    %swap3A_14 = arith.index_cast %swap3A_13 : i32 to index
    %swap3A_15 = arith.constant 48 : index
    %swap3A_16 = tpu.vector_load %arg9[%swap3A_14, %swap3A_15] {strides = array<i32>} : memref<16x128xf32, #tpu.memory_space<vmem>>, vector<16xf32>,
    tpu.vector_store %arg9[%swap3A_14, %swap3A_15], %broadcast_in_dim3A_1 {strides = array<i32>} : memref<16x128xf32, #tpu.memory_space<vmem>>, vector<16xf32>,
    %swap3A_17 = arith.constant 0 : i32
    %swap3A_18 = arith.index_cast %swap3A_17 : i32 to index
    %swap3A_19 = arith.constant 64 : index
    %swap3A_20 = tpu.vector_load %arg9[%swap3A_18, %swap3A_19] {strides = array<i32>} : memref<16x128xf32, #tpu.memory_space<vmem>>, vector<16xf32>,
    tpu.vector_store %arg9[%swap3A_18, %swap3A_19], %broadcast_in_dim3A_1 {strides = array<i32>} : memref<16x128xf32, #tpu.memory_space<vmem>>, vector<16xf32>,
    %swap3A_21 = arith.constant 0 : i32
    %swap3A_22 = arith.index_cast %swap3A_21 : i32 to index
    %swap3A_23 = arith.constant 80 : index
    %swap3A_24 = tpu.vector_load %arg9[%swap3A_22, %swap3A_23] {strides = array<i32>} : memref<16x128xf32, #tpu.memory_space<vmem>>, vector<16xf32>,
    tpu.vector_store %arg9[%swap3A_22, %swap3A_23], %broadcast_in_dim3A_1 {strides = array<i32>} : memref<16x128xf32, #tpu.memory_space<vmem>>, vector<16xf32>,
    %swap3A_25 = arith.constant 0 : i32
    %swap3A_26 = arith.index_cast %swap3A_25 : i32 to index
    %swap3A_27 = arith.constant 96 : index
    %swap3A_28 = tpu.vector_load %arg9[%swap3A_26, %swap3A_27] {strides = array<i32>} : memref<16x128xf32, #tpu.memory_space<vmem>>, vector<16xf32>,
    tpu.vector_store %arg9[%swap3A_26, %swap3A_27], %broadcast_in_dim3A_1 {strides = array<i32>} : memref<16x128xf32, #tpu.memory_space<vmem>>, vector<16xf32>,
    %swap3A_29 = arith.constant 0 : i32
    %swap3A_30 = arith.index_cast %swap3A_29 : i32 to index
    %swap3A_31 = arith.constant 112 : index
    %swap3A_32 = tpu.vector_load %arg9[%swap3A_30, %swap3A_31] {strides = array<i32>} : memref<16x128xf32, #tpu.memory_space<vmem>>, vector<16xf32>,
    tpu.vector_store %arg9[%swap3A_30, %swap3A_31], %broadcast_in_dim3A_1 {strides = array<i32>} : memref<16x128xf32, #tpu.memory_space<vmem>>, vector<16xf32>,
    %swap3A_33 = arith.constant 1 : i32
    %swap3A_34 = arith.index_cast %swap3A_33 : i32 to index
    %swap3A_35 = arith.constant 0 : index
    %swap3A_36 = tpu.vector_load %arg9[%swap3A_34, %swap3A_35] {strides = array<i32>} : memref<16x128xf32, #tpu.memory_space<vmem>>, vector<16xf32>,
    tpu.vector_store %arg9[%swap3A_34, %swap3A_35], %broadcast_in_dim3A_1 {strides = array<i32>} : memref<16x128xf32, #tpu.memory_space<vmem>>, vector<16xf32>,
    %swap3A_37 = arith.constant 1 : i32
    %swap3A_38 = arith.index_cast %swap3A_37 : i32 to index
    %swap3A_39 = arith.constant 16 : index
    %swap3A_40 = tpu.vector_load %arg9[%swap3A_38, %swap3A_39] {strides = array<i32>} : memref<16x128xf32, #tpu.memory_space<vmem>>, vector<16xf32>,
    tpu.vector_store %arg9[%swap3A_38, %swap3A_39], %broadcast_in_dim3A_1 {strides = array<i32>} : memref<16x128xf32, #tpu.memory_space<vmem>>, vector<16xf32>,
    %swap3A_41 = arith.constant 1 : i32
    %swap3A_42 = arith.index_cast %swap3A_41 : i32 to index
    %swap3A_43 = arith.constant 32 : index
    %swap3A_44 = tpu.vector_load %arg9[%swap3A_42, %swap3A_43] {strides = array<i32>} : memref<16x128xf32, #tpu.memory_space<vmem>>, vector<16xf32>,
    tpu.vector_store %arg9[%swap3A_42, %swap3A_43], %broadcast_in_dim3A_1 {strides = array<i32>} : memref<16x128xf32, #tpu.memory_space<vmem>>, vector<16xf32>,
    %swap3A_45 = arith.constant 1 : i32
    %swap3A_46 = arith.index_cast %swap3A_45 : i32 to index
    %swap3A_47 = arith.constant 48 : index
    %swap3A_48 = tpu.vector_load %arg9[%swap3A_46, %swap3A_47] {strides = array<i32>} : memref<16x128xf32, #tpu.memory_space<vmem>>, vector<16xf32>,
    tpu.vector_store %arg9[%swap3A_46, %swap3A_47], %broadcast_in_dim3A_1 {strides = array<i32>} : memref<16x128xf32, #tpu.memory_space<vmem>>, vector<16xf32>,
    %swap3A_49 = arith.constant 1 : i32
    %swap3A_50 = arith.index_cast %swap3A_49 : i32 to index
    %swap3A_51 = arith.constant 64 : index
    %swap3A_52 = tpu.vector_load %arg9[%swap3A_50, %swap3A_51] {strides = array<i32>} : memref<16x128xf32, #tpu.memory_space<vmem>>, vector<16xf32>,
    tpu.vector_store %arg9[%swap3A_50, %swap3A_51], %broadcast_in_dim3A_1 {strides = array<i32>} : memref<16x128xf32, #tpu.memory_space<vmem>>, vector<16xf32>,
    %swap3A_53 = arith.constant 1 : i32
    %swap3A_54 = arith.index_cast %swap3A_53 : i32 to index
    %swap3A_55 = arith.constant 80 : index
    %swap3A_56 = tpu.vector_load %arg9[%swap3A_54, %swap3A_55] {strides = array<i32>} : memref<16x128xf32, #tpu.memory_space<vmem>>, vector<16xf32>,
    tpu.vector_store %arg9[%swap3A_54, %swap3A_55], %broadcast_in_dim3A_1 {strides = array<i32>} : memref<16x128xf32, #tpu.memory_space<vmem>>, vector<16xf32>,
    %swap3A_57 = arith.constant 1 : i32
    %swap3A_58 = arith.index_cast %swap3A_57 : i32 to index
    %swap3A_59 = arith.constant 96 : index
    %swap3A_60 = tpu.vector_load %arg9[%swap3A_58, %swap3A_59] {strides = array<i32>} : memref<16x128xf32, #tpu.memory_space<vmem>>, vector<16xf32>,
    tpu.vector_store %arg9[%swap3A_58, %swap3A_59], %broadcast_in_dim3A_1 {strides = array<i32>} : memref<16x128xf32, #tpu.memory_space<vmem>>, vector<16xf32>,
    %swap3A_61 = arith.constant 1 : i32
    %swap3A_62 = arith.index_cast %swap3A_61 : i32 to index
    %swap3A_63 = arith.constant 112 : index
    %swap3A_64 = tpu.vector_load %arg9[%swap3A_62, %swap3A_63] {strides = array<i32>} : memref<16x128xf32, #tpu.memory_space<vmem>>, vector<16xf32>,
    tpu.vector_store %arg9[%swap3A_62, %swap3A_63], %broadcast_in_dim3A_1 {strides = array<i32>} : memref<16x128xf32, #tpu.memory_space<vmem>>, vector<16xf32>,
    %swap3A_65 = arith.constant 2 : i32
    %swap3A_66 = arith.index_cast %swap3A_65 : i32 to index
    %swap3A_67 = arith.constant 0 : index
    %swap3A_68 = tpu.vector_load %arg9[%swap3A_66, %swap3A_67] {strides = array<i32>} : memref<16x128xf32, #tpu.memory_space<vmem>>, vector<16xf32>,
    tpu.vector_store %arg9[%swap3A_66, %swap3A_67], %broadcast_in_dim3A_1 {strides = array<i32>} : memref<16x128xf32, #tpu.memory_space<vmem>>, vector<16xf32>,
    %swap3A_69 = arith.constant 2 : i32
    %swap3A_70 = arith.index_cast %swap3A_69 : i32 to index
    %swap3A_71 = arith.constant 16 : index
    %swap3A_72 = tpu.vector_load %arg9[%swap3A_70, %swap3A_71] {strides = array<i32>} : memref<16x128xf32, #tpu.memory_space<vmem>>, vector<16xf32>,
    tpu.vector_store %arg9[%swap3A_70, %swap3A_71], %broadcast_in_dim3A_1 {strides = array<i32>} : memref<16x128xf32, #tpu.memory_space<vmem>>, vector<16xf32>,
    %swap3A_73 = arith.constant 2 : i32
    %swap3A_74 = arith.index_cast %swap3A_73 : i32 to index
    %swap3A_75 = arith.constant 32 : index
    %swap3A_76 = tpu.vector_load %arg9[%swap3A_74, %swap3A_75] {strides = array<i32>} : memref<16x128xf32, #tpu.memory_space<vmem>>, vector<16xf32>,
    tpu.vector_store %arg9[%swap3A_74, %swap3A_75], %broadcast_in_dim3A_1 {strides = array<i32>} : memref<16x128xf32, #tpu.memory_space<vmem>>, vector<16xf32>,
    %swap3A_77 = arith.constant 2 : i32
    %swap3A_78 = arith.index_cast %swap3A_77 : i32 to index
    %swap3A_79 = arith.constant 48 : index
    %swap3A_80 = tpu.vector_load %arg9[%swap3A_78, %swap3A_79] {strides = array<i32>} : memref<16x128xf32, #tpu.memory_space<vmem>>, vector<16xf32>,
    tpu.vector_store %arg9[%swap3A_78, %swap3A_79], %broadcast_in_dim3A_1 {strides = array<i32>} : memref<16x128xf32, #tpu.memory_space<vmem>>, vector<16xf32>,
    %swap3A_81 = arith.constant 2 : i32
    %swap3A_82 = arith.index_cast %swap3A_81 : i32 to index
    %swap3A_83 = arith.constant 64 : index
    %swap3A_84 = tpu.vector_load %arg9[%swap3A_82, %swap3A_83] {strides = array<i32>} : memref<16x128xf32, #tpu.memory_space<vmem>>, vector<16xf32>,
    tpu.vector_store %arg9[%swap3A_82, %swap3A_83], %broadcast_in_dim3A_1 {strides = array<i32>} : memref<16x128xf32, #tpu.memory_space<vmem>>, vector<16xf32>,
    %swap3A_85 = arith.constant 2 : i32
    %swap3A_86 = arith.index_cast %swap3A_85 : i32 to index
    %swap3A_87 = arith.constant 80 : index
    %swap3A_88 = tpu.vector_load %arg9[%swap3A_86, %swap3A_87] {strides = array<i32>} : memref<16x128xf32, #tpu.memory_space<vmem>>, vector<16xf32>,
    tpu.vector_store %arg9[%swap3A_86, %swap3A_87], %broadcast_in_dim3A_1 {strides = array<i32>} : memref<16x128xf32, #tpu.memory_space<vmem>>, vector<16xf32>,
    %swap3A_89 = arith.constant 2 : i32
    %swap3A_90 = arith.index_cast %swap3A_89 : i32 to index
    %swap3A_91 = arith.constant 96 : index
    %swap3A_92 = tpu.vector_load %arg9[%swap3A_90, %swap3A_91] {strides = array<i32>} : memref<16x128xf32, #tpu.memory_space<vmem>>, vector<16xf32>,
    tpu.vector_store %arg9[%swap3A_90, %swap3A_91], %broadcast_in_dim3A_1 {strides = array<i32>} : memref<16x128xf32, #tpu.memory_space<vmem>>, vector<16xf32>,
    %swap3A_93 = arith.constant 2 : i32
    %swap3A_94 = arith.index_cast %swap3A_93 : i32 to index
    %swap3A_95 = arith.constant 112 : index
    %swap3A_96 = tpu.vector_load %arg9[%swap3A_94, %swap3A_95] {strides = array<i32>} : memref<16x128xf32, #tpu.memory_space<vmem>>, vector<16xf32>,
    tpu.vector_store %arg9[%swap3A_94, %swap3A_95], %broadcast_in_dim3A_1 {strides = array<i32>} : memref<16x128xf32, #tpu.memory_space<vmem>>, vector<16xf32>,
    %swap3A_97 = arith.constant 3 : i32
    %swap3A_98 = arith.index_cast %swap3A_97 : i32 to index
    %swap3A_99 = arith.constant 0 : index
    %swap3A_100 = tpu.vector_load %arg9[%swap3A_98, %swap3A_99] {strides = array<i32>} : memref<16x128xf32, #tpu.memory_space<vmem>>, vector<16xf32>,
    tpu.vector_store %arg9[%swap3A_98, %swap3A_99], %broadcast_in_dim3A_1 {strides = array<i32>} : memref<16x128xf32, #tpu.memory_space<vmem>>, vector<16xf32>,
    %swap3A_101 = arith.constant 3 : i32
    %swap3A_102 = arith.index_cast %swap3A_101 : i32 to index
    %swap3A_103 = arith.constant 16 : index
    %swap3A_104 = tpu.vector_load %arg9[%swap3A_102, %swap3A_103] {strides = array<i32>} : memref<16x128xf32, #tpu.memory_space<vmem>>, vector<16xf32>,
    tpu.vector_store %arg9[%swap3A_102, %swap3A_103], %broadcast_in_dim3A_1 {strides = array<i32>} : memref<16x128xf32, #tpu.memory_space<vmem>>, vector<16xf32>,
    %swap3A_105 = arith.constant 3 : i32
    %swap3A_106 = arith.index_cast %swap3A_105 : i32 to index
    %swap3A_107 = arith.constant 32 : index
    %swap3A_108 = tpu.vector_load %arg9[%swap3A_106, %swap3A_107] {strides = array<i32>} : memref<16x128xf32, #tpu.memory_space<vmem>>, vector<16xf32>,
    tpu.vector_store %arg9[%swap3A_106, %swap3A_107], %broadcast_in_dim3A_1 {strides = array<i32>} : memref<16x128xf32, #tpu.memory_space<vmem>>, vector<16xf32>,
    %swap3A_109 = arith.constant 3 : i32
    %swap3A_110 = arith.index_cast %swap3A_109 : i32 to index
    %swap3A_111 = arith.constant 48 : index
    %swap3A_112 = tpu.vector_load %arg9[%swap3A_110, %swap3A_111] {strides = array<i32>} : memref<16x128xf32, #tpu.memory_space<vmem>>, vector<16xf32>,
    tpu.vector_store %arg9[%swap3A_110, %swap3A_111], %broadcast_in_dim3A_1 {strides = array<i32>} : memref<16x128xf32, #tpu.memory_space<vmem>>, vector<16xf32>,
    %swap3A_113 = arith.constant 3 : i32
    %swap3A_114 = arith.index_cast %swap3A_113 : i32 to index
    %swap3A_115 = arith.constant 64 : index
    %swap3A_116 = tpu.vector_load %arg9[%swap3A_114, %swap3A_115] {strides = array<i32>} : memref<16x128xf32, #tpu.memory_space<vmem>>, vector<16xf32>,
    tpu.vector_store %arg9[%swap3A_114, %swap3A_115], %broadcast_in_dim3A_1 {strides = array<i32>} : memref<16x128xf32, #tpu.memory_space<vmem>>, vector<16xf32>,
    %swap3A_117 = arith.constant 3 : i32
    %swap3A_118 = arith.index_cast %swap3A_117 : i32 to index
    %swap3A_119 = arith.constant 80 : index
    %swap3A_120 = tpu.vector_load %arg9[%swap3A_118, %swap3A_119] {strides = array<i32>} : memref<16x128xf32, #tpu.memory_space<vmem>>, vector<16xf32>,
    tpu.vector_store %arg9[%swap3A_118, %swap3A_119], %broadcast_in_dim3A_1 {strides = array<i32>} : memref<16x128xf32, #tpu.memory_space<vmem>>, vector<16xf32>,
    %swap3A_121 = arith.constant 3 : i32
    %swap3A_122 = arith.index_cast %swap3A_121 : i32 to index
    %swap3A_123 = arith.constant 96 : index
    %swap3A_124 = tpu.vector_load %arg9[%swap3A_122, %swap3A_123] {strides = array<i32>} : memref<16x128xf32, #tpu.memory_space<vmem>>, vector<16xf32>,
    tpu.vector_store %arg9[%swap3A_122, %swap3A_123], %broadcast_in_dim3A_1 {strides = array<i32>} : memref<16x128xf32, #tpu.memory_space<vmem>>, vector<16xf32>,
    %swap3A_125 = arith.constant 3 : i32
    %swap3A_126 = arith.index_cast %swap3A_125 : i32 to index
    %swap3A_127 = arith.constant 112 : index
    %swap3A_128 = tpu.vector_load %arg9[%swap3A_126, %swap3A_127] {strides = array<i32>} : memref<16x128xf32, #tpu.memory_space<vmem>>, vector<16xf32>,
    tpu.vector_store %arg9[%swap3A_126, %swap3A_127], %broadcast_in_dim3A_1 {strides = array<i32>} : memref<16x128xf32, #tpu.memory_space<vmem>>, vector<16xf32>,
    %swap3A_129 = arith.constant 4 : i32
    %swap3A_130 = arith.index_cast %swap3A_129 : i32 to index
    %swap3A_131 = arith.constant 0 : index
    %swap3A_132 = tpu.vector_load %arg9[%swap3A_130, %swap3A_131] {strides = array<i32>} : memref<16x128xf32, #tpu.memory_space<vmem>>, vector<16xf32>,
    tpu.vector_store %arg9[%swap3A_130, %swap3A_131], %broadcast_in_dim3A_1 {strides = array<i32>} : memref<16x128xf32, #tpu.memory_space<vmem>>, vector<16xf32>,
    %swap3A_133 = arith.constant 4 : i32
    %swap3A_134 = arith.index_cast %swap3A_133 : i32 to index
    %swap3A_135 = arith.constant 16 : index
    %swap3A_136 = tpu.vector_load %arg9[%swap3A_134, %swap3A_135] {strides = array<i32>} : memref<16x128xf32, #tpu.memory_space<vmem>>, vector<16xf32>,
    tpu.vector_store %arg9[%swap3A_134, %swap3A_135], %broadcast_in_dim3A_1 {strides = array<i32>} : memref<16x128xf32, #tpu.memory_space<vmem>>, vector<16xf32>,
    %swap3A_137 = arith.constant 4 : i32
    %swap3A_138 = arith.index_cast %swap3A_137 : i32 to index
    %swap3A_139 = arith.constant 32 : index
    %swap3A_140 = tpu.vector_load %arg9[%swap3A_138, %swap3A_139] {strides = array<i32>} : memref<16x128xf32, #tpu.memory_space<vmem>>, vector<16xf32>,
    tpu.vector_store %arg9[%swap3A_138, %swap3A_139], %broadcast_in_dim3A_1 {strides = array<i32>} : memref<16x128xf32, #tpu.memory_space<vmem>>, vector<16xf32>,
    %swap3A_141 = arith.constant 4 : i32
    %swap3A_142 = arith.index_cast %swap3A_141 : i32 to index
    %swap3A_143 = arith.constant 48 : index
    %swap3A_144 = tpu.vector_load %arg9[%swap3A_142, %swap3A_143] {strides = array<i32>} : memref<16x128xf32, #tpu.memory_space<vmem>>, vector<16xf32>,
    tpu.vector_store %arg9[%swap3A_142, %swap3A_143], %broadcast_in_dim3A_1 {strides = array<i32>} : memref<16x128xf32, #tpu.memory_space<vmem>>, vector<16xf32>,
    %swap3A_145 = arith.constant 4 : i32
    %swap3A_146 = arith.index_cast %swap3A_145 : i32 to index
    %swap3A_147 = arith.constant 64 : index
    %swap3A_148 = tpu.vector_load %arg9[%swap3A_146, %swap3A_147] {strides = array<i32>} : memref<16x128xf32, #tpu.memory_space<vmem>>, vector<16xf32>,
    tpu.vector_store %arg9[%swap3A_146, %swap3A_147], %broadcast_in_dim3A_1 {strides = array<i32>} : memref<16x128xf32, #tpu.memory_space<vmem>>, vector<16xf32>,
    %swap3A_149 = arith.constant 4 : i32
    %swap3A_150 = arith.index_cast %swap3A_149 : i32 to index
    %swap3A_151 = arith.constant 80 : index
    %swap3A_152 = tpu.vector_load %arg9[%swap3A_150, %swap3A_151] {strides = array<i32>} : memref<16x128xf32, #tpu.memory_space<vmem>>, vector<16xf32>,
    tpu.vector_store %arg9[%swap3A_150, %swap3A_151], %broadcast_in_dim3A_1 {strides = array<i32>} : memref<16x128xf32, #tpu.memory_space<vmem>>, vector<16xf32>,
    %swap3A_153 = arith.constant 4 : i32
    %swap3A_154 = arith.index_cast %swap3A_153 : i32 to index
    %swap3A_155 = arith.constant 96 : index
    %swap3A_156 = tpu.vector_load %arg9[%swap3A_154, %swap3A_155] {strides = array<i32>} : memref<16x128xf32, #tpu.memory_space<vmem>>, vector<16xf32>,
    tpu.vector_store %arg9[%swap3A_154, %swap3A_155], %broadcast_in_dim3A_1 {strides = array<i32>} : memref<16x128xf32, #tpu.memory_space<vmem>>, vector<16xf32>,
    %swap3A_157 = arith.constant 4 : i32
    %swap3A_158 = arith.index_cast %swap3A_157 : i32 to index
    %swap3A_159 = arith.constant 112 : index
    %swap3A_160 = tpu.vector_load %arg9[%swap3A_158, %swap3A_159] {strides = array<i32>} : memref<16x128xf32, #tpu.memory_space<vmem>>, vector<16xf32>,
    tpu.vector_store %arg9[%swap3A_158, %swap3A_159], %broadcast_in_dim3A_1 {strides = array<i32>} : memref<16x128xf32, #tpu.memory_space<vmem>>, vector<16xf32>,
    %swap3A_161 = arith.constant 5 : i32
    %swap3A_162 = arith.index_cast %swap3A_161 : i32 to index
    %swap3A_163 = arith.constant 0 : index
    %swap3A_164 = tpu.vector_load %arg9[%swap3A_162, %swap3A_163] {strides = array<i32>} : memref<16x128xf32, #tpu.memory_space<vmem>>, vector<16xf32>,
    tpu.vector_store %arg9[%swap3A_162, %swap3A_163], %broadcast_in_dim3A_1 {strides = array<i32>} : memref<16x128xf32, #tpu.memory_space<vmem>>, vector<16xf32>,
    %swap3A_165 = arith.constant 5 : i32
    %swap3A_166 = arith.index_cast %swap3A_165 : i32 to index
    %swap3A_167 = arith.constant 16 : index
    %swap3A_168 = tpu.vector_load %arg9[%swap3A_166, %swap3A_167] {strides = array<i32>} : memref<16x128xf32, #tpu.memory_space<vmem>>, vector<16xf32>,
    tpu.vector_store %arg9[%swap3A_166, %swap3A_167], %broadcast_in_dim3A_1 {strides = array<i32>} : memref<16x128xf32, #tpu.memory_space<vmem>>, vector<16xf32>,
    %swap3A_169 = arith.constant 5 : i32
    %swap3A_170 = arith.index_cast %swap3A_169 : i32 to index
    %swap3A_171 = arith.constant 32 : index
    %swap3A_172 = tpu.vector_load %arg9[%swap3A_170, %swap3A_171] {strides = array<i32>} : memref<16x128xf32, #tpu.memory_space<vmem>>, vector<16xf32>,
    tpu.vector_store %arg9[%swap3A_170, %swap3A_171], %broadcast_in_dim3A_1 {strides = array<i32>} : memref<16x128xf32, #tpu.memory_space<vmem>>, vector<16xf32>,
    %swap3A_173 = arith.constant 5 : i32
    %swap3A_174 = arith.index_cast %swap3A_173 : i32 to index
    %swap3A_175 = arith.constant 48 : index
    %swap3A_176 = tpu.vector_load %arg9[%swap3A_174, %swap3A_175] {strides = array<i32>} : memref<16x128xf32, #tpu.memory_space<vmem>>, vector<16xf32>,
    tpu.vector_store %arg9[%swap3A_174, %swap3A_175], %broadcast_in_dim3A_1 {strides = array<i32>} : memref<16x128xf32, #tpu.memory_space<vmem>>, vector<16xf32>,
    %swap3A_177 = arith.constant 5 : i32
    %swap3A_178 = arith.index_cast %swap3A_177 : i32 to index
    %swap3A_179 = arith.constant 64 : index
    %swap3A_180 = tpu.vector_load %arg9[%swap3A_178, %swap3A_179] {strides = array<i32>} : memref<16x128xf32, #tpu.memory_space<vmem>>, vector<16xf32>,
    tpu.vector_store %arg9[%swap3A_178, %swap3A_179], %broadcast_in_dim3A_1 {strides = array<i32>} : memref<16x128xf32, #tpu.memory_space<vmem>>, vector<16xf32>,
    %swap3A_181 = arith.constant 5 : i32
    %swap3A_182 = arith.index_cast %swap3A_181 : i32 to index
    %swap3A_183 = arith.constant 80 : index
    %swap3A_184 = tpu.vector_load %arg9[%swap3A_182, %swap3A_183] {strides = array<i32>} : memref<16x128xf32, #tpu.memory_space<vmem>>, vector<16xf32>,
    tpu.vector_store %arg9[%swap3A_182, %swap3A_183], %broadcast_in_dim3A_1 {strides = array<i32>} : memref<16x128xf32, #tpu.memory_space<vmem>>, vector<16xf32>,
    %swap3A_185 = arith.constant 5 : i32
    %swap3A_186 = arith.index_cast %swap3A_185 : i32 to index
    %swap3A_187 = arith.constant 96 : index
    %swap3A_188 = tpu.vector_load %arg9[%swap3A_186, %swap3A_187] {strides = array<i32>} : memref<16x128xf32, #tpu.memory_space<vmem>>, vector<16xf32>,
    tpu.vector_store %arg9[%swap3A_186, %swap3A_187], %broadcast_in_dim3A_1 {strides = array<i32>} : memref<16x128xf32, #tpu.memory_space<vmem>>, vector<16xf32>,
    %swap3A_189 = arith.constant 5 : i32
    %swap3A_190 = arith.index_cast %swap3A_189 : i32 to index
    %swap3A_191 = arith.constant 112 : index
    %swap3A_192 = tpu.vector_load %arg9[%swap3A_190, %swap3A_191] {strides = array<i32>} : memref<16x128xf32, #tpu.memory_space<vmem>>, vector<16xf32>,
    tpu.vector_store %arg9[%swap3A_190, %swap3A_191], %broadcast_in_dim3A_1 {strides = array<i32>} : memref<16x128xf32, #tpu.memory_space<vmem>>, vector<16xf32>,
    %swap3A_193 = arith.constant 6 : i32
    %swap3A_194 = arith.index_cast %swap3A_193 : i32 to index
    %swap3A_195 = arith.constant 0 : index
    %swap3A_196 = tpu.vector_load %arg9[%swap3A_194, %swap3A_195] {strides = array<i32>} : memref<16x128xf32, #tpu.memory_space<vmem>>, vector<16xf32>,
    tpu.vector_store %arg9[%swap3A_194, %swap3A_195], %broadcast_in_dim3A_1 {strides = array<i32>} : memref<16x128xf32, #tpu.memory_space<vmem>>, vector<16xf32>,
    %swap3A_197 = arith.constant 6 : i32
    %swap3A_198 = arith.index_cast %swap3A_197 : i32 to index
    %swap3A_199 = arith.constant 16 : index
    %swap3A_200 = tpu.vector_load %arg9[%swap3A_198, %swap3A_199] {strides = array<i32>} : memref<16x128xf32, #tpu.memory_space<vmem>>, vector<16xf32>,
    tpu.vector_store %arg9[%swap3A_198, %swap3A_199], %broadcast_in_dim3A_1 {strides = array<i32>} : memref<16x128xf32, #tpu.memory_space<vmem>>, vector<16xf32>,
    %swap3A_201 = arith.constant 6 : i32
    %swap3A_202 = arith.index_cast %swap3A_201 : i32 to index
    %swap3A_203 = arith.constant 32 : index
    %swap3A_204 = tpu.vector_load %arg9[%swap3A_202, %swap3A_203] {strides = array<i32>} : memref<16x128xf32, #tpu.memory_space<vmem>>, vector<16xf32>,
    tpu.vector_store %arg9[%swap3A_202, %swap3A_203], %broadcast_in_dim3A_1 {strides = array<i32>} : memref<16x128xf32, #tpu.memory_space<vmem>>, vector<16xf32>,
    %swap3A_205 = arith.constant 6 : i32
    %swap3A_206 = arith.index_cast %swap3A_205 : i32 to index
    %swap3A_207 = arith.constant 48 : index
    %swap3A_208 = tpu.vector_load %arg9[%swap3A_206, %swap3A_207] {strides = array<i32>} : memref<16x128xf32, #tpu.memory_space<vmem>>, vector<16xf32>,
    tpu.vector_store %arg9[%swap3A_206, %swap3A_207], %broadcast_in_dim3A_1 {strides = array<i32>} : memref<16x128xf32, #tpu.memory_space<vmem>>, vector<16xf32>,
    %swap3A_209 = arith.constant 6 : i32
    %swap3A_210 = arith.index_cast %swap3A_209 : i32 to index
    %swap3A_211 = arith.constant 64 : index
    %swap3A_212 = tpu.vector_load %arg9[%swap3A_210, %swap3A_211] {strides = array<i32>} : memref<16x128xf32, #tpu.memory_space<vmem>>, vector<16xf32>,
    tpu.vector_store %arg9[%swap3A_210, %swap3A_211], %broadcast_in_dim3A_1 {strides = array<i32>} : memref<16x128xf32, #tpu.memory_space<vmem>>, vector<16xf32>,
    %swap3A_213 = arith.constant 6 : i32
    %swap3A_214 = arith.index_cast %swap3A_213 : i32 to index
    %swap3A_215 = arith.constant 80 : index
    %swap3A_216 = tpu.vector_load %arg9[%swap3A_214, %swap3A_215] {strides = array<i32>} : memref<16x128xf32, #tpu.memory_space<vmem>>, vector<16xf32>,
    tpu.vector_store %arg9[%swap3A_214, %swap3A_215], %broadcast_in_dim3A_1 {strides = array<i32>} : memref<16x128xf32, #tpu.memory_space<vmem>>, vector<16xf32>,
    %swap3A_217 = arith.constant 6 : i32
    %swap3A_218 = arith.index_cast %swap3A_217 : i32 to index
    %swap3A_219 = arith.constant 96 : index
    %swap3A_220 = tpu.vector_load %arg9[%swap3A_218, %swap3A_219] {strides = array<i32>} : memref<16x128xf32, #tpu.memory_space<vmem>>, vector<16xf32>,
    tpu.vector_store %arg9[%swap3A_218, %swap3A_219], %broadcast_in_dim3A_1 {strides = array<i32>} : memref<16x128xf32, #tpu.memory_space<vmem>>, vector<16xf32>,
    %swap3A_221 = arith.constant 6 : i32
    %swap3A_222 = arith.index_cast %swap3A_221 : i32 to index
    %swap3A_223 = arith.constant 112 : index
    %swap3A_224 = tpu.vector_load %arg9[%swap3A_222, %swap3A_223] {strides = array<i32>} : memref<16x128xf32, #tpu.memory_space<vmem>>, vector<16xf32>,
    tpu.vector_store %arg9[%swap3A_222, %swap3A_223], %broadcast_in_dim3A_1 {strides = array<i32>} : memref<16x128xf32, #tpu.memory_space<vmem>>, vector<16xf32>,
    %swap3A_225 = arith.constant 7 : i32
    %swap3A_226 = arith.index_cast %swap3A_225 : i32 to index
    %swap3A_227 = arith.constant 0 : index
    %swap3A_228 = tpu.vector_load %arg9[%swap3A_226, %swap3A_227] {strides = array<i32>} : memref<16x128xf32, #tpu.memory_space<vmem>>, vector<16xf32>,
    tpu.vector_store %arg9[%swap3A_226, %swap3A_227], %broadcast_in_dim3A_1 {strides = array<i32>} : memref<16x128xf32, #tpu.memory_space<vmem>>, vector<16xf32>,
    %swap3A_229 = arith.constant 7 : i32
    %swap3A_230 = arith.index_cast %swap3A_229 : i32 to index
    %swap3A_231 = arith.constant 16 : index
    %swap3A_232 = tpu.vector_load %arg9[%swap3A_230, %swap3A_231] {strides = array<i32>} : memref<16x128xf32, #tpu.memory_space<vmem>>, vector<16xf32>,
    tpu.vector_store %arg9[%swap3A_230, %swap3A_231], %broadcast_in_dim3A_1 {strides = array<i32>} : memref<16x128xf32, #tpu.memory_space<vmem>>, vector<16xf32>,
    %swap3A_233 = arith.constant 7 : i32
    %swap3A_234 = arith.index_cast %swap3A_233 : i32 to index
    %swap3A_235 = arith.constant 32 : index
    %swap3A_236 = tpu.vector_load %arg9[%swap3A_234, %swap3A_235] {strides = array<i32>} : memref<16x128xf32, #tpu.memory_space<vmem>>, vector<16xf32>,
    tpu.vector_store %arg9[%swap3A_234, %swap3A_235], %broadcast_in_dim3A_1 {strides = array<i32>} : memref<16x128xf32, #tpu.memory_space<vmem>>, vector<16xf32>,
    %swap3A_237 = arith.constant 7 : i32
    %swap3A_238 = arith.index_cast %swap3A_237 : i32 to index
    %swap3A_239 = arith.constant 48 : index
    %swap3A_240 = tpu.vector_load %arg9[%swap3A_238, %swap3A_239] {strides = array<i32>} : memref<16x128xf32, #tpu.memory_space<vmem>>, vector<16xf32>,
    tpu.vector_store %arg9[%swap3A_238, %swap3A_239], %broadcast_in_dim3A_1 {strides = array<i32>} : memref<16x128xf32, #tpu.memory_space<vmem>>, vector<16xf32>,
    %swap3A_241 = arith.constant 7 : i32
    %swap3A_242 = arith.index_cast %swap3A_241 : i32 to index
    %swap3A_243 = arith.constant 64 : index
    %swap3A_244 = tpu.vector_load %arg9[%swap3A_242, %swap3A_243] {strides = array<i32>} : memref<16x128xf32, #tpu.memory_space<vmem>>, vector<16xf32>,
    tpu.vector_store %arg9[%swap3A_242, %swap3A_243], %broadcast_in_dim3A_1 {strides = array<i32>} : memref<16x128xf32, #tpu.memory_space<vmem>>, vector<16xf32>,
    %swap3A_245 = arith.constant 7 : i32
    %swap3A_246 = arith.index_cast %swap3A_245 : i32 to index
    %swap3A_247 = arith.constant 80 : index
    %swap3A_248 = tpu.vector_load %arg9[%swap3A_246, %swap3A_247] {strides = array<i32>} : memref<16x128xf32, #tpu.memory_space<vmem>>, vector<16xf32>,
    tpu.vector_store %arg9[%swap3A_246, %swap3A_247], %broadcast_in_dim3A_1 {strides = array<i32>} : memref<16x128xf32, #tpu.memory_space<vmem>>, vector<16xf32>,
    %swap3A_249 = arith.constant 7 : i32
    %swap3A_250 = arith.index_cast %swap3A_249 : i32 to index
    %swap3A_251 = arith.constant 96 : index
    %swap3A_252 = tpu.vector_load %arg9[%swap3A_250, %swap3A_251] {strides = array<i32>} : memref<16x128xf32, #tpu.memory_space<vmem>>, vector<16xf32>,
    tpu.vector_store %arg9[%swap3A_250, %swap3A_251], %broadcast_in_dim3A_1 {strides = array<i32>} : memref<16x128xf32, #tpu.memory_space<vmem>>, vector<16xf32>,
    %swap3A_253 = arith.constant 7 : i32
    %swap3A_254 = arith.index_cast %swap3A_253 : i32 to index
    %swap3A_255 = arith.constant 112 : index
    %swap3A_256 = tpu.vector_load %arg9[%swap3A_254, %swap3A_255] {strides = array<i32>} : memref<16x128xf32, #tpu.memory_space<vmem>>, vector<16xf32>,
    tpu.vector_store %arg9[%swap3A_254, %swap3A_255], %broadcast_in_dim3A_1 {strides = array<i32>} : memref<16x128xf32, #tpu.memory_space<vmem>>, vector<16xf32>,
    %swap3A_257 = arith.constant 8 : i32
    %swap3A_258 = arith.index_cast %swap3A_257 : i32 to index
    %swap3A_259 = arith.constant 0 : index
    %swap3A_260 = tpu.vector_load %arg9[%swap3A_258, %swap3A_259] {strides = array<i32>} : memref<16x128xf32, #tpu.memory_space<vmem>>, vector<16xf32>,
    tpu.vector_store %arg9[%swap3A_258, %swap3A_259], %broadcast_in_dim3A_1 {strides = array<i32>} : memref<16x128xf32, #tpu.memory_space<vmem>>, vector<16xf32>,
    %swap3A_261 = arith.constant 8 : i32
    %swap3A_262 = arith.index_cast %swap3A_261 : i32 to index
    %swap3A_263 = arith.constant 16 : index
    %swap3A_264 = tpu.vector_load %arg9[%swap3A_262, %swap3A_263] {strides = array<i32>} : memref<16x128xf32, #tpu.memory_space<vmem>>, vector<16xf32>,
    tpu.vector_store %arg9[%swap3A_262, %swap3A_263], %broadcast_in_dim3A_1 {strides = array<i32>} : memref<16x128xf32, #tpu.memory_space<vmem>>, vector<16xf32>,
    %swap3A_265 = arith.constant 8 : i32
    %swap3A_266 = arith.index_cast %swap3A_265 : i32 to index
    %swap3A_267 = arith.constant 32 : index
    %swap3A_268 = tpu.vector_load %arg9[%swap3A_266, %swap3A_267] {strides = array<i32>} : memref<16x128xf32, #tpu.memory_space<vmem>>, vector<16xf32>,
    tpu.vector_store %arg9[%swap3A_266, %swap3A_267], %broadcast_in_dim3A_1 {strides = array<i32>} : memref<16x128xf32, #tpu.memory_space<vmem>>, vector<16xf32>,
    %swap3A_269 = arith.constant 8 : i32
    %swap3A_270 = arith.index_cast %swap3A_269 : i32 to index
    %swap3A_271 = arith.constant 48 : index
    %swap3A_272 = tpu.vector_load %arg9[%swap3A_270, %swap3A_271] {strides = array<i32>} : memref<16x128xf32, #tpu.memory_space<vmem>>, vector<16xf32>,
    tpu.vector_store %arg9[%swap3A_270, %swap3A_271], %broadcast_in_dim3A_1 {strides = array<i32>} : memref<16x128xf32, #tpu.memory_space<vmem>>, vector<16xf32>,
    %swap3A_273 = arith.constant 8 : i32
    %swap3A_274 = arith.index_cast %swap3A_273 : i32 to index
    %swap3A_275 = arith.constant 64 : index
    %swap3A_276 = tpu.vector_load %arg9[%swap3A_274, %swap3A_275] {strides = array<i32>} : memref<16x128xf32, #tpu.memory_space<vmem>>, vector<16xf32>,
    tpu.vector_store %arg9[%swap3A_274, %swap3A_275], %broadcast_in_dim3A_1 {strides = array<i32>} : memref<16x128xf32, #tpu.memory_space<vmem>>, vector<16xf32>,
    %swap3A_277 = arith.constant 8 : i32
    %swap3A_278 = arith.index_cast %swap3A_277 : i32 to index
    %swap3A_279 = arith.constant 80 : index
    %swap3A_280 = tpu.vector_load %arg9[%swap3A_278, %swap3A_279] {strides = array<i32>} : memref<16x128xf32, #tpu.memory_space<vmem>>, vector<16xf32>,
    tpu.vector_store %arg9[%swap3A_278, %swap3A_279], %broadcast_in_dim3A_1 {strides = array<i32>} : memref<16x128xf32, #tpu.memory_space<vmem>>, vector<16xf32>,
    %swap3A_281 = arith.constant 8 : i32
    %swap3A_282 = arith.index_cast %swap3A_281 : i32 to index
    %swap3A_283 = arith.constant 96 : index
    %swap3A_284 = tpu.vector_load %arg9[%swap3A_282, %swap3A_283] {strides = array<i32>} : memref<16x128xf32, #tpu.memory_space<vmem>>, vector<16xf32>,
    tpu.vector_store %arg9[%swap3A_282, %swap3A_283], %broadcast_in_dim3A_1 {strides = array<i32>} : memref<16x128xf32, #tpu.memory_space<vmem>>, vector<16xf32>,
    %swap3A_285 = arith.constant 8 : i32
    %swap3A_286 = arith.index_cast %swap3A_285 : i32 to index
    %swap3A_287 = arith.constant 112 : index
    %swap3A_288 = tpu.vector_load %arg9[%swap3A_286, %swap3A_287] {strides = array<i32>} : memref<16x128xf32, #tpu.memory_space<vmem>>, vector<16xf32>,
    tpu.vector_store %arg9[%swap3A_286, %swap3A_287], %broadcast_in_dim3A_1 {strides = array<i32>} : memref<16x128xf32, #tpu.memory_space<vmem>>, vector<16xf32>,
    %swap3A_289 = arith.constant 9 : i32
    %swap3A_290 = arith.index_cast %swap3A_289 : i32 to index
    %swap3A_291 = arith.constant 0 : index
    %swap3A_292 = tpu.vector_load %arg9[%swap3A_290, %swap3A_291] {strides = array<i32>} : memref<16x128xf32, #tpu.memory_space<vmem>>, vector<16xf32>,
    tpu.vector_store %arg9[%swap3A_290, %swap3A_291], %broadcast_in_dim3A_1 {strides = array<i32>} : memref<16x128xf32, #tpu.memory_space<vmem>>, vector<16xf32>,
    %swap3A_293 = arith.constant 9 : i32
    %swap3A_294 = arith.index_cast %swap3A_293 : i32 to index
    %swap3A_295 = arith.constant 16 : index
    %swap3A_296 = tpu.vector_load %arg9[%swap3A_294, %swap3A_295] {strides = array<i32>} : memref<16x128xf32, #tpu.memory_space<vmem>>, vector<16xf32>,
    tpu.vector_store %arg9[%swap3A_294, %swap3A_295], %broadcast_in_dim3A_1 {strides = array<i32>} : memref<16x128xf32, #tpu.memory_space<vmem>>, vector<16xf32>,
    %swap3A_297 = arith.constant 9 : i32
    %swap3A_298 = arith.index_cast %swap3A_297 : i32 to index
    %swap3A_299 = arith.constant 32 : index
    %swap3A_300 = tpu.vector_load %arg9[%swap3A_298, %swap3A_299] {strides = array<i32>} : memref<16x128xf32, #tpu.memory_space<vmem>>, vector<16xf32>,
    tpu.vector_store %arg9[%swap3A_298, %swap3A_299], %broadcast_in_dim3A_1 {strides = array<i32>} : memref<16x128xf32, #tpu.memory_space<vmem>>, vector<16xf32>,
    %swap3A_301 = arith.constant 9 : i32
    %swap3A_302 = arith.index_cast %swap3A_301 : i32 to index
    %swap3A_303 = arith.constant 48 : index
    %swap3A_304 = tpu.vector_load %arg9[%swap3A_302, %swap3A_303] {strides = array<i32>} : memref<16x128xf32, #tpu.memory_space<vmem>>, vector<16xf32>,
    tpu.vector_store %arg9[%swap3A_302, %swap3A_303], %broadcast_in_dim3A_1 {strides = array<i32>} : memref<16x128xf32, #tpu.memory_space<vmem>>, vector<16xf32>,
    %swap3A_305 = arith.constant 9 : i32
    %swap3A_306 = arith.index_cast %swap3A_305 : i32 to index
    %swap3A_307 = arith.constant 64 : index
    %swap3A_308 = tpu.vector_load %arg9[%swap3A_306, %swap3A_307] {strides = array<i32>} : memref<16x128xf32, #tpu.memory_space<vmem>>, vector<16xf32>,
    tpu.vector_store %arg9[%swap3A_306, %swap3A_307], %broadcast_in_dim3A_1 {strides = array<i32>} : memref<16x128xf32, #tpu.memory_space<vmem>>, vector<16xf32>,
    %swap3A_309 = arith.constant 9 : i32
    %swap3A_310 = arith.index_cast %swap3A_309 : i32 to index
    %swap3A_311 = arith.constant 80 : index
    %swap3A_312 = tpu.vector_load %arg9[%swap3A_310, %swap3A_311] {strides = array<i32>} : memref<16x128xf32, #tpu.memory_space<vmem>>, vector<16xf32>,
    tpu.vector_store %arg9[%swap3A_310, %swap3A_311], %broadcast_in_dim3A_1 {strides = array<i32>} : memref<16x128xf32, #tpu.memory_space<vmem>>, vector<16xf32>,
    %swap3A_313 = arith.constant 9 : i32
    %swap3A_314 = arith.index_cast %swap3A_313 : i32 to index
    %swap3A_315 = arith.constant 96 : index
    %swap3A_316 = tpu.vector_load %arg9[%swap3A_314, %swap3A_315] {strides = array<i32>} : memref<16x128xf32, #tpu.memory_space<vmem>>, vector<16xf32>,
    tpu.vector_store %arg9[%swap3A_314, %swap3A_315], %broadcast_in_dim3A_1 {strides = array<i32>} : memref<16x128xf32, #tpu.memory_space<vmem>>, vector<16xf32>,
    %swap3A_317 = arith.constant 9 : i32
    %swap3A_318 = arith.index_cast %swap3A_317 : i32 to index
    %swap3A_319 = arith.constant 112 : index
    %swap3A_320 = tpu.vector_load %arg9[%swap3A_318, %swap3A_319] {strides = array<i32>} : memref<16x128xf32, #tpu.memory_space<vmem>>, vector<16xf32>,
    tpu.vector_store %arg9[%swap3A_318, %swap3A_319], %broadcast_in_dim3A_1 {strides = array<i32>} : memref<16x128xf32, #tpu.memory_space<vmem>>, vector<16xf32>,
    %swap3A_321 = arith.constant 10 : i32
    %swap3A_322 = arith.index_cast %swap3A_321 : i32 to index
    %swap3A_323 = arith.constant 0 : index
    %swap3A_324 = tpu.vector_load %arg9[%swap3A_322, %swap3A_323] {strides = array<i32>} : memref<16x128xf32, #tpu.memory_space<vmem>>, vector<16xf32>,
    tpu.vector_store %arg9[%swap3A_322, %swap3A_323], %broadcast_in_dim3A_1 {strides = array<i32>} : memref<16x128xf32, #tpu.memory_space<vmem>>, vector<16xf32>,
    %swap3A_325 = arith.constant 10 : i32
    %swap3A_326 = arith.index_cast %swap3A_325 : i32 to index
    %swap3A_327 = arith.constant 16 : index
    %swap3A_328 = tpu.vector_load %arg9[%swap3A_326, %swap3A_327] {strides = array<i32>} : memref<16x128xf32, #tpu.memory_space<vmem>>, vector<16xf32>,
    tpu.vector_store %arg9[%swap3A_326, %swap3A_327], %broadcast_in_dim3A_1 {strides = array<i32>} : memref<16x128xf32, #tpu.memory_space<vmem>>, vector<16xf32>,
    %swap3A_329 = arith.constant 10 : i32
    %swap3A_330 = arith.index_cast %swap3A_329 : i32 to index
    %swap3A_331 = arith.constant 32 : index
    %swap3A_332 = tpu.vector_load %arg9[%swap3A_330, %swap3A_331] {strides = array<i32>} : memref<16x128xf32, #tpu.memory_space<vmem>>, vector<16xf32>,
    tpu.vector_store %arg9[%swap3A_330, %swap3A_331], %broadcast_in_dim3A_1 {strides = array<i32>} : memref<16x128xf32, #tpu.memory_space<vmem>>, vector<16xf32>,
    %swap3A_333 = arith.constant 10 : i32
    %swap3A_334 = arith.index_cast %swap3A_333 : i32 to index
    %swap3A_335 = arith.constant 48 : index
    %swap3A_336 = tpu.vector_load %arg9[%swap3A_334, %swap3A_335] {strides = array<i32>} : memref<16x128xf32, #tpu.memory_space<vmem>>, vector<16xf32>,
    tpu.vector_store %arg9[%swap3A_334, %swap3A_335], %broadcast_in_dim3A_1 {strides = array<i32>} : memref<16x128xf32, #tpu.memory_space<vmem>>, vector<16xf32>,
    %swap3A_337 = arith.constant 10 : i32
    %swap3A_338 = arith.index_cast %swap3A_337 : i32 to index
    %swap3A_339 = arith.constant 64 : index
    %swap3A_340 = tpu.vector_load %arg9[%swap3A_338, %swap3A_339] {strides = array<i32>} : memref<16x128xf32, #tpu.memory_space<vmem>>, vector<16xf32>,
    tpu.vector_store %arg9[%swap3A_338, %swap3A_339], %broadcast_in_dim3A_1 {strides = array<i32>} : memref<16x128xf32, #tpu.memory_space<vmem>>, vector<16xf32>,
    %swap3A_341 = arith.constant 10 : i32
    %swap3A_342 = arith.index_cast %swap3A_341 : i32 to index
    %swap3A_343 = arith.constant 80 : index
    %swap3A_344 = tpu.vector_load %arg9[%swap3A_342, %swap3A_343] {strides = array<i32>} : memref<16x128xf32, #tpu.memory_space<vmem>>, vector<16xf32>,
    tpu.vector_store %arg9[%swap3A_342, %swap3A_343], %broadcast_in_dim3A_1 {strides = array<i32>} : memref<16x128xf32, #tpu.memory_space<vmem>>, vector<16xf32>,
    %swap3A_345 = arith.constant 10 : i32
    %swap3A_346 = arith.index_cast %swap3A_345 : i32 to index
    %swap3A_347 = arith.constant 96 : index
    %swap3A_348 = tpu.vector_load %arg9[%swap3A_346, %swap3A_347] {strides = array<i32>} : memref<16x128xf32, #tpu.memory_space<vmem>>, vector<16xf32>,
    tpu.vector_store %arg9[%swap3A_346, %swap3A_347], %broadcast_in_dim3A_1 {strides = array<i32>} : memref<16x128xf32, #tpu.memory_space<vmem>>, vector<16xf32>,
    %swap3A_349 = arith.constant 10 : i32
    %swap3A_350 = arith.index_cast %swap3A_349 : i32 to index
    %swap3A_351 = arith.constant 112 : index
    %swap3A_352 = tpu.vector_load %arg9[%swap3A_350, %swap3A_351] {strides = array<i32>} : memref<16x128xf32, #tpu.memory_space<vmem>>, vector<16xf32>,
    tpu.vector_store %arg9[%swap3A_350, %swap3A_351], %broadcast_in_dim3A_1 {strides = array<i32>} : memref<16x128xf32, #tpu.memory_space<vmem>>, vector<16xf32>,
    %swap3A_353 = arith.constant 11 : i32
    %swap3A_354 = arith.index_cast %swap3A_353 : i32 to index
    %swap3A_355 = arith.constant 0 : index
    %swap3A_356 = tpu.vector_load %arg9[%swap3A_354, %swap3A_355] {strides = array<i32>} : memref<16x128xf32, #tpu.memory_space<vmem>>, vector<16xf32>,
    tpu.vector_store %arg9[%swap3A_354, %swap3A_355], %broadcast_in_dim3A_1 {strides = array<i32>} : memref<16x128xf32, #tpu.memory_space<vmem>>, vector<16xf32>,
    %swap3A_357 = arith.constant 11 : i32
    %swap3A_358 = arith.index_cast %swap3A_357 : i32 to index
    %swap3A_359 = arith.constant 16 : index
    %swap3A_360 = tpu.vector_load %arg9[%swap3A_358, %swap3A_359] {strides = array<i32>} : memref<16x128xf32, #tpu.memory_space<vmem>>, vector<16xf32>,
    tpu.vector_store %arg9[%swap3A_358, %swap3A_359], %broadcast_in_dim3A_1 {strides = array<i32>} : memref<16x128xf32, #tpu.memory_space<vmem>>, vector<16xf32>,
    %swap3A_361 = arith.constant 11 : i32
    %swap3A_362 = arith.index_cast %swap3A_361 : i32 to index
    %swap3A_363 = arith.constant 32 : index
    %swap3A_364 = tpu.vector_load %arg9[%swap3A_362, %swap3A_363] {strides = array<i32>} : memref<16x128xf32, #tpu.memory_space<vmem>>, vector<16xf32>,
    tpu.vector_store %arg9[%swap3A_362, %swap3A_363], %broadcast_in_dim3A_1 {strides = array<i32>} : memref<16x128xf32, #tpu.memory_space<vmem>>, vector<16xf32>,
    %swap3A_365 = arith.constant 11 : i32
    %swap3A_366 = arith.index_cast %swap3A_365 : i32 to index
    %swap3A_367 = arith.constant 48 : index
    %swap3A_368 = tpu.vector_load %arg9[%swap3A_366, %swap3A_367] {strides = array<i32>} : memref<16x128xf32, #tpu.memory_space<vmem>>, vector<16xf32>,
    tpu.vector_store %arg9[%swap3A_366, %swap3A_367], %broadcast_in_dim3A_1 {strides = array<i32>} : memref<16x128xf32, #tpu.memory_space<vmem>>, vector<16xf32>,
    %swap3A_369 = arith.constant 11 : i32
    %swap3A_370 = arith.index_cast %swap3A_369 : i32 to index
    %swap3A_371 = arith.constant 64 : index
    %swap3A_372 = tpu.vector_load %arg9[%swap3A_370, %swap3A_371] {strides = array<i32>} : memref<16x128xf32, #tpu.memory_space<vmem>>, vector<16xf32>,
    tpu.vector_store %arg9[%swap3A_370, %swap3A_371], %broadcast_in_dim3A_1 {strides = array<i32>} : memref<16x128xf32, #tpu.memory_space<vmem>>, vector<16xf32>,
    %swap3A_373 = arith.constant 11 : i32
    %swap3A_374 = arith.index_cast %swap3A_373 : i32 to index
    %swap3A_375 = arith.constant 80 : index
    %swap3A_376 = tpu.vector_load %arg9[%swap3A_374, %swap3A_375] {strides = array<i32>} : memref<16x128xf32, #tpu.memory_space<vmem>>, vector<16xf32>,
    tpu.vector_store %arg9[%swap3A_374, %swap3A_375], %broadcast_in_dim3A_1 {strides = array<i32>} : memref<16x128xf32, #tpu.memory_space<vmem>>, vector<16xf32>,
    %swap3A_377 = arith.constant 11 : i32
    %swap3A_378 = arith.index_cast %swap3A_377 : i32 to index
    %swap3A_379 = arith.constant 96 : index
    %swap3A_380 = tpu.vector_load %arg9[%swap3A_378, %swap3A_379] {strides = array<i32>} : memref<16x128xf32, #tpu.memory_space<vmem>>, vector<16xf32>,
    tpu.vector_store %arg9[%swap3A_378, %swap3A_379], %broadcast_in_dim3A_1 {strides = array<i32>} : memref<16x128xf32, #tpu.memory_space<vmem>>, vector<16xf32>,
    %swap3A_381 = arith.constant 11 : i32
    %swap3A_382 = arith.index_cast %swap3A_381 : i32 to index
    %swap3A_383 = arith.constant 112 : index
    %swap3A_384 = tpu.vector_load %arg9[%swap3A_382, %swap3A_383] {strides = array<i32>} : memref<16x128xf32, #tpu.memory_space<vmem>>, vector<16xf32>,
    tpu.vector_store %arg9[%swap3A_382, %swap3A_383], %broadcast_in_dim3A_1 {strides = array<i32>} : memref<16x128xf32, #tpu.memory_space<vmem>>, vector<16xf32>,
    %swap3A_385 = arith.constant 12 : i32
    %swap3A_386 = arith.index_cast %swap3A_385 : i32 to index
    %swap3A_387 = arith.constant 0 : index
    %swap3A_388 = tpu.vector_load %arg9[%swap3A_386, %swap3A_387] {strides = array<i32>} : memref<16x128xf32, #tpu.memory_space<vmem>>, vector<16xf32>,
    tpu.vector_store %arg9[%swap3A_386, %swap3A_387], %broadcast_in_dim3A_1 {strides = array<i32>} : memref<16x128xf32, #tpu.memory_space<vmem>>, vector<16xf32>,
    %swap3A_389 = arith.constant 12 : i32
    %swap3A_390 = arith.index_cast %swap3A_389 : i32 to index
    %swap3A_391 = arith.constant 16 : index
    %swap3A_392 = tpu.vector_load %arg9[%swap3A_390, %swap3A_391] {strides = array<i32>} : memref<16x128xf32, #tpu.memory_space<vmem>>, vector<16xf32>,
    tpu.vector_store %arg9[%swap3A_390, %swap3A_391], %broadcast_in_dim3A_1 {strides = array<i32>} : memref<16x128xf32, #tpu.memory_space<vmem>>, vector<16xf32>,
    %swap3A_393 = arith.constant 12 : i32
    %swap3A_394 = arith.index_cast %swap3A_393 : i32 to index
    %swap3A_395 = arith.constant 32 : index
    %swap3A_396 = tpu.vector_load %arg9[%swap3A_394, %swap3A_395] {strides = array<i32>} : memref<16x128xf32, #tpu.memory_space<vmem>>, vector<16xf32>,
    tpu.vector_store %arg9[%swap3A_394, %swap3A_395], %broadcast_in_dim3A_1 {strides = array<i32>} : memref<16x128xf32, #tpu.memory_space<vmem>>, vector<16xf32>,
    %swap3A_397 = arith.constant 12 : i32
    %swap3A_398 = arith.index_cast %swap3A_397 : i32 to index
    %swap3A_399 = arith.constant 48 : index
    %swap3A_400 = tpu.vector_load %arg9[%swap3A_398, %swap3A_399] {strides = array<i32>} : memref<16x128xf32, #tpu.memory_space<vmem>>, vector<16xf32>,
    tpu.vector_store %arg9[%swap3A_398, %swap3A_399], %broadcast_in_dim3A_1 {strides = array<i32>} : memref<16x128xf32, #tpu.memory_space<vmem>>, vector<16xf32>,
    %swap3A_401 = arith.constant 12 : i32
    %swap3A_402 = arith.index_cast %swap3A_401 : i32 to index
    %swap3A_403 = arith.constant 64 : index
    %swap3A_404 = tpu.vector_load %arg9[%swap3A_402, %swap3A_403] {strides = array<i32>} : memref<16x128xf32, #tpu.memory_space<vmem>>, vector<16xf32>,
    tpu.vector_store %arg9[%swap3A_402, %swap3A_403], %broadcast_in_dim3A_1 {strides = array<i32>} : memref<16x128xf32, #tpu.memory_space<vmem>>, vector<16xf32>,
    %swap3A_405 = arith.constant 12 : i32
    %swap3A_406 = arith.index_cast %swap3A_405 : i32 to index
    %swap3A_407 = arith.constant 80 : index
    %swap3A_408 = tpu.vector_load %arg9[%swap3A_406, %swap3A_407] {strides = array<i32>} : memref<16x128xf32, #tpu.memory_space<vmem>>, vector<16xf32>,
    tpu.vector_store %arg9[%swap3A_406, %swap3A_407], %broadcast_in_dim3A_1 {strides = array<i32>} : memref<16x128xf32, #tpu.memory_space<vmem>>, vector<16xf32>,
    %swap3A_409 = arith.constant 12 : i32
    %swap3A_410 = arith.index_cast %swap3A_409 : i32 to index
    %swap3A_411 = arith.constant 96 : index
    %swap3A_412 = tpu.vector_load %arg9[%swap3A_410, %swap3A_411] {strides = array<i32>} : memref<16x128xf32, #tpu.memory_space<vmem>>, vector<16xf32>,
    tpu.vector_store %arg9[%swap3A_410, %swap3A_411], %broadcast_in_dim3A_1 {strides = array<i32>} : memref<16x128xf32, #tpu.memory_space<vmem>>, vector<16xf32>,
    %swap3A_413 = arith.constant 12 : i32
    %swap3A_414 = arith.index_cast %swap3A_413 : i32 to index
    %swap3A_415 = arith.constant 112 : index
    %swap3A_416 = tpu.vector_load %arg9[%swap3A_414, %swap3A_415] {strides = array<i32>} : memref<16x128xf32, #tpu.memory_space<vmem>>, vector<16xf32>,
    tpu.vector_store %arg9[%swap3A_414, %swap3A_415], %broadcast_in_dim3A_1 {strides = array<i32>} : memref<16x128xf32, #tpu.memory_space<vmem>>, vector<16xf32>,
    %swap3A_417 = arith.constant 13 : i32
    %swap3A_418 = arith.index_cast %swap3A_417 : i32 to index
    %swap3A_419 = arith.constant 0 : index
    %swap3A_420 = tpu.vector_load %arg9[%swap3A_418, %swap3A_419] {strides = array<i32>} : memref<16x128xf32, #tpu.memory_space<vmem>>, vector<16xf32>,
    tpu.vector_store %arg9[%swap3A_418, %swap3A_419], %broadcast_in_dim3A_1 {strides = array<i32>} : memref<16x128xf32, #tpu.memory_space<vmem>>, vector<16xf32>,
    %swap3A_421 = arith.constant 13 : i32
    %swap3A_422 = arith.index_cast %swap3A_421 : i32 to index
    %swap3A_423 = arith.constant 16 : index
    %swap3A_424 = tpu.vector_load %arg9[%swap3A_422, %swap3A_423] {strides = array<i32>} : memref<16x128xf32, #tpu.memory_space<vmem>>, vector<16xf32>,
    tpu.vector_store %arg9[%swap3A_422, %swap3A_423], %broadcast_in_dim3A_1 {strides = array<i32>} : memref<16x128xf32, #tpu.memory_space<vmem>>, vector<16xf32>,
    %swap3A_425 = arith.constant 13 : i32
    %swap3A_426 = arith.index_cast %swap3A_425 : i32 to index
    %swap3A_427 = arith.constant 32 : index
    %swap3A_428 = tpu.vector_load %arg9[%swap3A_426, %swap3A_427] {strides = array<i32>} : memref<16x128xf32, #tpu.memory_space<vmem>>, vector<16xf32>,
    tpu.vector_store %arg9[%swap3A_426, %swap3A_427], %broadcast_in_dim3A_1 {strides = array<i32>} : memref<16x128xf32, #tpu.memory_space<vmem>>, vector<16xf32>,
    %swap3A_429 = arith.constant 13 : i32
    %swap3A_430 = arith.index_cast %swap3A_429 : i32 to index
    %swap3A_431 = arith.constant 48 : index
    %swap3A_432 = tpu.vector_load %arg9[%swap3A_430, %swap3A_431] {strides = array<i32>} : memref<16x128xf32, #tpu.memory_space<vmem>>, vector<16xf32>,
    tpu.vector_store %arg9[%swap3A_430, %swap3A_431], %broadcast_in_dim3A_1 {strides = array<i32>} : memref<16x128xf32, #tpu.memory_space<vmem>>, vector<16xf32>,
    %swap3A_433 = arith.constant 13 : i32
    %swap3A_434 = arith.index_cast %swap3A_433 : i32 to index
    %swap3A_435 = arith.constant 64 : index
    %swap3A_436 = tpu.vector_load %arg9[%swap3A_434, %swap3A_435] {strides = array<i32>} : memref<16x128xf32, #tpu.memory_space<vmem>>, vector<16xf32>,
    tpu.vector_store %arg9[%swap3A_434, %swap3A_435], %broadcast_in_dim3A_1 {strides = array<i32>} : memref<16x128xf32, #tpu.memory_space<vmem>>, vector<16xf32>,
    %swap3A_437 = arith.constant 13 : i32
    %swap3A_438 = arith.index_cast %swap3A_437 : i32 to index
    %swap3A_439 = arith.constant 80 : index
    %swap3A_440 = tpu.vector_load %arg9[%swap3A_438, %swap3A_439] {strides = array<i32>} : memref<16x128xf32, #tpu.memory_space<vmem>>, vector<16xf32>,
    tpu.vector_store %arg9[%swap3A_438, %swap3A_439], %broadcast_in_dim3A_1 {strides = array<i32>} : memref<16x128xf32, #tpu.memory_space<vmem>>, vector<16xf32>,
    %swap3A_441 = arith.constant 13 : i32
    %swap3A_442 = arith.index_cast %swap3A_441 : i32 to index
    %swap3A_443 = arith.constant 96 : index
    %swap3A_444 = tpu.vector_load %arg9[%swap3A_442, %swap3A_443] {strides = array<i32>} : memref<16x128xf32, #tpu.memory_space<vmem>>, vector<16xf32>,
    tpu.vector_store %arg9[%swap3A_442, %swap3A_443], %broadcast_in_dim3A_1 {strides = array<i32>} : memref<16x128xf32, #tpu.memory_space<vmem>>, vector<16xf32>,
    %swap3A_445 = arith.constant 13 : i32
    %swap3A_446 = arith.index_cast %swap3A_445 : i32 to index
    %swap3A_447 = arith.constant 112 : index
    %swap3A_448 = tpu.vector_load %arg9[%swap3A_446, %swap3A_447] {strides = array<i32>} : memref<16x128xf32, #tpu.memory_space<vmem>>, vector<16xf32>,
    tpu.vector_store %arg9[%swap3A_446, %swap3A_447], %broadcast_in_dim3A_1 {strides = array<i32>} : memref<16x128xf32, #tpu.memory_space<vmem>>, vector<16xf32>,
    %swap3A_449 = arith.constant 14 : i32
    %swap3A_450 = arith.index_cast %swap3A_449 : i32 to index
    %swap3A_451 = arith.constant 0 : index
    %swap3A_452 = tpu.vector_load %arg9[%swap3A_450, %swap3A_451] {strides = array<i32>} : memref<16x128xf32, #tpu.memory_space<vmem>>, vector<16xf32>,
    tpu.vector_store %arg9[%swap3A_450, %swap3A_451], %broadcast_in_dim3A_1 {strides = array<i32>} : memref<16x128xf32, #tpu.memory_space<vmem>>, vector<16xf32>,
    %swap3A_453 = arith.constant 14 : i32
    %swap3A_454 = arith.index_cast %swap3A_453 : i32 to index
    %swap3A_455 = arith.constant 16 : index
    %swap3A_456 = tpu.vector_load %arg9[%swap3A_454, %swap3A_455] {strides = array<i32>} : memref<16x128xf32, #tpu.memory_space<vmem>>, vector<16xf32>,
    tpu.vector_store %arg9[%swap3A_454, %swap3A_455], %broadcast_in_dim3A_1 {strides = array<i32>} : memref<16x128xf32, #tpu.memory_space<vmem>>, vector<16xf32>,
    %swap3A_457 = arith.constant 14 : i32
    %swap3A_458 = arith.index_cast %swap3A_457 : i32 to index
    %swap3A_459 = arith.constant 32 : index
    %swap3A_460 = tpu.vector_load %arg9[%swap3A_458, %swap3A_459] {strides = array<i32>} : memref<16x128xf32, #tpu.memory_space<vmem>>, vector<16xf32>,
    tpu.vector_store %arg9[%swap3A_458, %swap3A_459], %broadcast_in_dim3A_1 {strides = array<i32>} : memref<16x128xf32, #tpu.memory_space<vmem>>, vector<16xf32>,
    %swap3A_461 = arith.constant 14 : i32
    %swap3A_462 = arith.index_cast %swap3A_461 : i32 to index
    %swap3A_463 = arith.constant 48 : index
    %swap3A_464 = tpu.vector_load %arg9[%swap3A_462, %swap3A_463] {strides = array<i32>} : memref<16x128xf32, #tpu.memory_space<vmem>>, vector<16xf32>,
    tpu.vector_store %arg9[%swap3A_462, %swap3A_463], %broadcast_in_dim3A_1 {strides = array<i32>} : memref<16x128xf32, #tpu.memory_space<vmem>>, vector<16xf32>,
    %swap3A_465 = arith.constant 14 : i32
    %swap3A_466 = arith.index_cast %swap3A_465 : i32 to index
    %swap3A_467 = arith.constant 64 : index
    %swap3A_468 = tpu.vector_load %arg9[%swap3A_466, %swap3A_467] {strides = array<i32>} : memref<16x128xf32, #tpu.memory_space<vmem>>, vector<16xf32>,
    tpu.vector_store %arg9[%swap3A_466, %swap3A_467], %broadcast_in_dim3A_1 {strides = array<i32>} : memref<16x128xf32, #tpu.memory_space<vmem>>, vector<16xf32>,
    %swap3A_469 = arith.constant 14 : i32
    %swap3A_470 = arith.index_cast %swap3A_469 : i32 to index
    %swap3A_471 = arith.constant 80 : index
    %swap3A_472 = tpu.vector_load %arg9[%swap3A_470, %swap3A_471] {strides = array<i32>} : memref<16x128xf32, #tpu.memory_space<vmem>>, vector<16xf32>,
    tpu.vector_store %arg9[%swap3A_470, %swap3A_471], %broadcast_in_dim3A_1 {strides = array<i32>} : memref<16x128xf32, #tpu.memory_space<vmem>>, vector<16xf32>,
    %swap3A_473 = arith.constant 14 : i32
    %swap3A_474 = arith.index_cast %swap3A_473 : i32 to index
    %swap3A_475 = arith.constant 96 : index
    %swap3A_476 = tpu.vector_load %arg9[%swap3A_474, %swap3A_475] {strides = array<i32>} : memref<16x128xf32, #tpu.memory_space<vmem>>, vector<16xf32>,
    tpu.vector_store %arg9[%swap3A_474, %swap3A_475], %broadcast_in_dim3A_1 {strides = array<i32>} : memref<16x128xf32, #tpu.memory_space<vmem>>, vector<16xf32>,
    %swap3A_477 = arith.constant 14 : i32
    %swap3A_478 = arith.index_cast %swap3A_477 : i32 to index
    %swap3A_479 = arith.constant 112 : index
    %swap3A_480 = tpu.vector_load %arg9[%swap3A_478, %swap3A_479] {strides = array<i32>} : memref<16x128xf32, #tpu.memory_space<vmem>>, vector<16xf32>,
    tpu.vector_store %arg9[%swap3A_478, %swap3A_479], %broadcast_in_dim3A_1 {strides = array<i32>} : memref<16x128xf32, #tpu.memory_space<vmem>>, vector<16xf32>,
    %swap3A_481 = arith.constant 15 : i32
    %swap3A_482 = arith.index_cast %swap3A_481 : i32 to index
    %swap3A_483 = arith.constant 0 : index
    %swap3A_484 = tpu.vector_load %arg9[%swap3A_482, %swap3A_483] {strides = array<i32>} : memref<16x128xf32, #tpu.memory_space<vmem>>, vector<16xf32>,
    tpu.vector_store %arg9[%swap3A_482, %swap3A_483], %broadcast_in_dim3A_1 {strides = array<i32>} : memref<16x128xf32, #tpu.memory_space<vmem>>, vector<16xf32>,
    %swap3A_485 = arith.constant 15 : i32
    %swap3A_486 = arith.index_cast %swap3A_485 : i32 to index
    %swap3A_487 = arith.constant 16 : index
    %swap3A_488 = tpu.vector_load %arg9[%swap3A_486, %swap3A_487] {strides = array<i32>} : memref<16x128xf32, #tpu.memory_space<vmem>>, vector<16xf32>,
    tpu.vector_store %arg9[%swap3A_486, %swap3A_487], %broadcast_in_dim3A_1 {strides = array<i32>} : memref<16x128xf32, #tpu.memory_space<vmem>>, vector<16xf32>,
    %swap3A_489 = arith.constant 15 : i32
    %swap3A_490 = arith.index_cast %swap3A_489 : i32 to index
    %swap3A_491 = arith.constant 32 : index
    %swap3A_492 = tpu.vector_load %arg9[%swap3A_490, %swap3A_491] {strides = array<i32>} : memref<16x128xf32, #tpu.memory_space<vmem>>, vector<16xf32>,
    tpu.vector_store %arg9[%swap3A_490, %swap3A_491], %broadcast_in_dim3A_1 {strides = array<i32>} : memref<16x128xf32, #tpu.memory_space<vmem>>, vector<16xf32>,
    %swap3A_493 = arith.constant 15 : i32
    %swap3A_494 = arith.index_cast %swap3A_493 : i32 to index
    %swap3A_495 = arith.constant 48 : index
    %swap3A_496 = tpu.vector_load %arg9[%swap3A_494, %swap3A_495] {strides = array<i32>} : memref<16x128xf32, #tpu.memory_space<vmem>>, vector<16xf32>,
    tpu.vector_store %arg9[%swap3A_494, %swap3A_495], %broadcast_in_dim3A_1 {strides = array<i32>} : memref<16x128xf32, #tpu.memory_space<vmem>>, vector<16xf32>,
    %swap3A_497 = arith.constant 15 : i32
    %swap3A_498 = arith.index_cast %swap3A_497 : i32 to index
    %swap3A_499 = arith.constant 64 : index
    %swap3A_500 = tpu.vector_load %arg9[%swap3A_498, %swap3A_499] {strides = array<i32>} : memref<16x128xf32, #tpu.memory_space<vmem>>, vector<16xf32>,
    tpu.vector_store %arg9[%swap3A_498, %swap3A_499], %broadcast_in_dim3A_1 {strides = array<i32>} : memref<16x128xf32, #tpu.memory_space<vmem>>, vector<16xf32>,
    %swap3A_501 = arith.constant 15 : i32
    %swap3A_502 = arith.index_cast %swap3A_501 : i32 to index
    %swap3A_503 = arith.constant 80 : index
    %swap3A_504 = tpu.vector_load %arg9[%swap3A_502, %swap3A_503] {strides = array<i32>} : memref<16x128xf32, #tpu.memory_space<vmem>>, vector<16xf32>,
    tpu.vector_store %arg9[%swap3A_502, %swap3A_503], %broadcast_in_dim3A_1 {strides = array<i32>} : memref<16x128xf32, #tpu.memory_space<vmem>>, vector<16xf32>,
    %swap3A_505 = arith.constant 15 : i32
    %swap3A_506 = arith.index_cast %swap3A_505 : i32 to index
    %swap3A_507 = arith.constant 96 : index
    %swap3A_508 = tpu.vector_load %arg9[%swap3A_506, %swap3A_507] {strides = array<i32>} : memref<16x128xf32, #tpu.memory_space<vmem>>, vector<16xf32>,
    tpu.vector_store %arg9[%swap3A_506, %swap3A_507], %broadcast_in_dim3A_1 {strides = array<i32>} : memref<16x128xf32, #tpu.memory_space<vmem>>, vector<16xf32>,
    %swap3A_509 = arith.constant 15 : i32
    %swap3A_510 = arith.index_cast %swap3A_509 : i32 to index
    %swap3A_511 = arith.constant 112 : index
    %swap3A_512 = tpu.vector_load %arg9[%swap3A_510, %swap3A_511] {strides = array<i32>} : memref<16x128xf32, #tpu.memory_space<vmem>>, vector<16xf32>,
    tpu.vector_store %arg9[%swap3A_510, %swap3A_511], %broadcast_in_dim3A_1 {strides = array<i32>} : memref<16x128xf32, #tpu.memory_space<vmem>>, vector<16xf32>,
    %scan3A = arith.constant 0 : i32
    %scan3A_513 = arith.constant 0 : i32
    %scan3A_514 = arith.constant 39 : i32
    %scan3A_515 = arith.addi %scan3A_513, %scan3A_514 : i32
    %scan3A_516 = arith.constant 1 : i32
    %scan3A_517 = scf.for %scan3A_536 = %scan3A_513 to %scan3A_515 step %scan3A_516 iter_args(%scan3A_537 = %scan3A) -> (i32)  : i32 {
      %mul3A_538 = arith.constant 624 : i32
      %mul3A_539 = arith.muli %arg1, %mul3A_538 : i32
      %mul3A_540 = arith.constant 16 : i32
      %mul3A_541 = arith.muli %scan3A_536, %mul3A_540 : i32
      %add3A_542 = arith.addi %mul3A_539, %mul3A_541 : i32
      "tpu.region"() ({
        %run_scoped3A = tpu.sem_alloc : memref<!tpu.dma_semaphore, #tpu.memory_space<semaphore_mem>>
        %dma_start3A = arith.constant 0 : i32
        %dma_start3A_544 = tpu.memref_slice %arg10[%add3A_542, %dma_start3A] : memref<10000x128xf32, #tpu.memory_space<vmem_shared>> -> memref<16x128xf32, #tpu.memory_space<vmem_shared>>
        %dma_start3A_545 = arith.constant 0 : i32
        %dma_start3A_546 = tpu.memref_slice %arg10[%add3A_542, %dma_start3A_545] : memref<10000x128xf32, #tpu.memory_space<vmem_shared>> -> memref<16x128xf32, #tpu.memory_space<vmem_shared>>
        tpu.enqueue_dma source(%arg9 : memref<16x128xf32, #tpu.memory_space<vmem>>) target(%dma_start3A_546 : memref<16x128xf32, #tpu.memory_space<vmem_shared>>) target_semaphore(%run_scoped3A : memref<!tpu.dma_semaphore, #tpu.memory_space<semaphore_mem>>)
        %dma_wait3A = arith.constant 0 : i32
        %dma_wait3A_547 = tpu.memref_slice %arg10[%add3A_542, %dma_wait3A] : memref<10000x128xf32, #tpu.memory_space<vmem_shared>> -> memref<16x128xf32, #tpu.memory_space<vmem_shared>>
        %dma_wait3A_548 = arith.constant 0 : i32
        %dma_wait3A_549 = tpu.memref_slice %arg10[%add3A_542, %dma_wait3A_548] : memref<10000x128xf32, #tpu.memory_space<vmem_shared>> -> memref<16x128xf32, #tpu.memory_space<vmem_shared>>
        tpu.wait_dma2 semaphore(%run_scoped3A : memref<!tpu.dma_semaphore, #tpu.memory_space<semaphore_mem>>) src(%arg9 : memref<16x128xf32, #tpu.memory_space<vmem>>) dst(%dma_wait3A_549 : memref<16x128xf32, #tpu.memory_space<vmem_shared>>)
        tpu.yield
      }) : () -> ()
      %scan3A_543 = arith.constant 0 : i32
      scf.yield %scan3A_543 : i32
    }
    %scan3A_518 = arith.constant 39 : i32
    %eq3A = arith.constant 15 : i32
    %eq3A_519 = arith.cmpi eq, %arg1, %eq3A : i32
    %convert_element_type3A = arith.extui %eq3A_519 : i1 to i32
    %cond3A = arith.constant 0 : i32
    %cond3A_520 = arith.cmpi ne, %convert_element_type3A, %cond3A : i32
    scf.if %cond3A_520 {
      "tpu.region"() ({
        %run_scoped3A = tpu.sem_alloc : memref<!tpu.dma_semaphore, #tpu.memory_space<semaphore_mem>>
        %dma_start3A = arith.constant 9984 : i32
        %dma_start3A_536 = arith.constant 0 : i32
        %dma_start3A_537 = tpu.memref_slice %arg10[%dma_start3A, %dma_start3A_536] : memref<10000x128xf32, #tpu.memory_space<vmem_shared>> -> memref<16x128xf32, #tpu.memory_space<vmem_shared>>
        %dma_start3A_538 = arith.constant 9984 : i32
        %dma_start3A_539 = arith.constant 0 : i32
        %dma_start3A_540 = tpu.memref_slice %arg10[%dma_start3A_538, %dma_start3A_539] : memref<10000x128xf32, #tpu.memory_space<vmem_shared>> -> memref<16x128xf32, #tpu.memory_space<vmem_shared>>
        tpu.enqueue_dma source(%arg9 : memref<16x128xf32, #tpu.memory_space<vmem>>) target(%dma_start3A_540 : memref<16x128xf32, #tpu.memory_space<vmem_shared>>) target_semaphore(%run_scoped3A : memref<!tpu.dma_semaphore, #tpu.memory_space<semaphore_mem>>)
        %dma_wait3A = arith.constant 9984 : i32
        %dma_wait3A_541 = arith.constant 0 : i32
        %dma_wait3A_542 = tpu.memref_slice %arg10[%dma_wait3A, %dma_wait3A_541] : memref<10000x128xf32, #tpu.memory_space<vmem_shared>> -> memref<16x128xf32, #tpu.memory_space<vmem_shared>>
        %dma_wait3A_543 = arith.constant 9984 : i32
        %dma_wait3A_544 = arith.constant 0 : i32
        %dma_wait3A_545 = tpu.memref_slice %arg10[%dma_wait3A_543, %dma_wait3A_544] : memref<10000x128xf32, #tpu.memory_space<vmem_shared>> -> memref<16x128xf32, #tpu.memory_space<vmem_shared>>
        tpu.wait_dma2 semaphore(%run_scoped3A : memref<!tpu.dma_semaphore, #tpu.memory_space<semaphore_mem>>) src(%arg9 : memref<16x128xf32, #tpu.memory_space<vmem>>) dst(%dma_wait3A_545 : memref<16x128xf32, #tpu.memory_space<vmem_shared>>)
        tpu.yield
      }) : () -> ()
    } else {
    }
    %barrier3A = arith.constant 0 : index
    tpu.barrier barrier_id(%barrier3A)
    %scan3A_521 = arith.constant 0 : i32
    %scan3A_522 = arith.constant 0 : i32
    %scan3A_523 = arith.constant 125 : i32
    %scan3A_524 = arith.addi %scan3A_522, %scan3A_523 : i32
    %scan3A_525 = arith.constant 1 : i32
    %scan3A_526 = scf.for %scan3A_536 = %scan3A_522 to %scan3A_524 step %scan3A_525 iter_args(%scan3A_537 = %scan3A_521) -> (i32)  : i32 {
      %dma_start3A = arith.constant 0 : i32
      %dma_start3A_538 = tpu.memref_slice %arg6[%scan3A_536, %dma_start3A] : memref<125x80xi32, #tpu.memory_space<vmem>> -> memref<1x80xi32, #tpu.memory_space<vmem>>
      %dma_start3A_539 = tpu.memref_squeeze %dma_start3A_538 : memref<1x80xi32, #tpu.memory_space<vmem>> -> memref<80xi32, #tpu.memory_space<vmem>>
      %dma_start3A_540 = arith.constant 0 : i32
      %dma_start3A_541 = arith.constant 0 : i32
      %dma_start3A_542 = tpu.memref_slice %arg2[%dma_start3A_540, %dma_start3A_541] : memref<10000x128xf32, #tpu.memory_space<hbm>> -> memref<10000x128xf32, #tpu.memory_space<hbm>>
      tpu.enqueue_indirect_dma source(%dma_start3A_542 : memref<10000x128xf32, #tpu.memory_space<hbm>>) target(%arg8 : memref<80x128xf32, #tpu.memory_space<vmem>>) offsets(%dma_start3A_539 : memref<80xi32, #tpu.memory_space<vmem>>) semaphore(%arg11 : memref<!tpu.dma_semaphore, #tpu.memory_space<semaphore_mem>>)
      %dma_wait3A = arith.constant 0 : i32
      %dma_wait3A_543 = tpu.memref_slice %arg6[%scan3A_536, %dma_wait3A] : memref<125x80xi32, #tpu.memory_space<vmem>> -> memref<1x80xi32, #tpu.memory_space<vmem>>
      %dma_wait3A_544 = tpu.memref_squeeze %dma_wait3A_543 : memref<1x80xi32, #tpu.memory_space<vmem>> -> memref<80xi32, #tpu.memory_space<vmem>>
      %dma_wait3A_545 = arith.constant 0 : i32
      %dma_wait3A_546 = arith.constant 0 : i32
      %dma_wait3A_547 = tpu.memref_slice %arg2[%dma_wait3A_545, %dma_wait3A_546] : memref<10000x128xf32, #tpu.memory_space<hbm>> -> memref<10000x128xf32, #tpu.memory_space<hbm>>
      tpu.wait_indirect_dma semaphore(%arg11 : memref<!tpu.dma_semaphore, #tpu.memory_space<semaphore_mem>>) src(%dma_wait3A_547 : memref<10000x128xf32, #tpu.memory_space<hbm>>) dst(%arg8 : memref<80x128xf32, #tpu.memory_space<vmem>>)
      "tpu.region"() ({
        %run_scoped3A = tpu.sem_alloc : memref<!tpu.dma_semaphore, #tpu.memory_space<semaphore_mem>>
        %dma_start3A_549 = arith.constant 0 : i32
        %dma_start3A_550 = tpu.memref_slice %arg7[%scan3A_536, %dma_start3A_549] : memref<125x80xi32, #tpu.memory_space<vmem>> -> memref<1x80xi32, #tpu.memory_space<vmem>>
        %dma_start3A_551 = tpu.memref_squeeze %dma_start3A_550 : memref<1x80xi32, #tpu.memory_space<vmem>> -> memref<80xi32, #tpu.memory_space<vmem>>
        %dma_start3A_552 = arith.constant 0 : i32
        %dma_start3A_553 = arith.constant 0 : i32
        %dma_start3A_554 = tpu.memref_slice %arg10[%dma_start3A_552, %dma_start3A_553] : memref<10000x128xf32, #tpu.memory_space<vmem_shared>> -> memref<10000x128xf32, #tpu.memory_space<vmem_shared>>
        tpu.enqueue_indirect_dma source(%arg8 : memref<80x128xf32, #tpu.memory_space<vmem>>) target(%dma_start3A_554 : memref<10000x128xf32, #tpu.memory_space<vmem_shared>>) offsets(%dma_start3A_551 : memref<80xi32, #tpu.memory_space<vmem>>) semaphore(%run_scoped3A : memref<!tpu.dma_semaphore, #tpu.memory_space<semaphore_mem>>) {add = true}
        %dma_wait3A_555 = arith.constant 0 : i32
        %dma_wait3A_556 = tpu.memref_slice %arg7[%scan3A_536, %dma_wait3A_555] : memref<125x80xi32, #tpu.memory_space<vmem>> -> memref<1x80xi32, #tpu.memory_space<vmem>>
        %dma_wait3A_557 = tpu.memref_squeeze %dma_wait3A_556 : memref<1x80xi32, #tpu.memory_space<vmem>> -> memref<80xi32, #tpu.memory_space<vmem>>
        %dma_wait3A_558 = arith.constant 0 : i32
        %dma_wait3A_559 = arith.constant 0 : i32
        %dma_wait3A_560 = tpu.memref_slice %arg10[%dma_wait3A_558, %dma_wait3A_559] : memref<10000x128xf32, #tpu.memory_space<vmem_shared>> -> memref<10000x128xf32, #tpu.memory_space<vmem_shared>>
        tpu.wait_indirect_dma semaphore(%run_scoped3A : memref<!tpu.dma_semaphore, #tpu.memory_space<semaphore_mem>>) src(%arg8 : memref<80x128xf32, #tpu.memory_space<vmem>>) dst(%dma_wait3A_560 : memref<10000x128xf32, #tpu.memory_space<vmem_shared>>)
        tpu.yield
      }) : () -> ()
      %scan3A_548 = arith.constant 0 : i32
      scf.yield %scan3A_548 : i32
    }
    %scan3A_527 = arith.constant 125 : i32
    %barrier3A_528 = arith.constant 0 : index
    tpu.barrier barrier_id(%barrier3A_528)
    %mul3A_529 = arith.constant 624 : i32
    %mul3A_530 = arith.muli %arg1, %mul3A_529 : i32
    "tpu.region"() ({
      %run_scoped3A = tpu.sem_alloc : memref<!tpu.dma_semaphore, #tpu.memory_space<semaphore_mem>>
      %dma_start3A = arith.constant 0 : i32
      %dma_start3A_536 = tpu.memref_slice %arg5[%arg0, %mul3A_530, %dma_start3A] : memref<2x10000x128xf32, #tpu.memory_space<hbm>> -> memref<1x624x128xf32, #tpu.memory_space<hbm>>
      %dma_start3A_537 = tpu.memref_squeeze %dma_start3A_536 : memref<1x624x128xf32, #tpu.memory_space<hbm>> -> memref<624x128xf32, #tpu.memory_space<hbm>>
      %dma_start3A_538 = arith.constant 0 : i32
      %dma_start3A_539 = tpu.memref_slice %arg10[%mul3A_530, %dma_start3A_538] : memref<10000x128xf32, #tpu.memory_space<vmem_shared>> -> memref<624x128xf32, #tpu.memory_space<vmem_shared>>
      tpu.enqueue_dma source(%dma_start3A_539 : memref<624x128xf32, #tpu.memory_space<vmem_shared>>) target(%dma_start3A_537 : memref<624x128xf32, #tpu.memory_space<hbm>>) target_semaphore(%run_scoped3A : memref<!tpu.dma_semaphore, #tpu.memory_space<semaphore_mem>>)
      %dma_wait3A = arith.constant 0 : i32
      %dma_wait3A_540 = tpu.memref_slice %arg5[%arg0, %mul3A_530, %dma_wait3A] : memref<2x10000x128xf32, #tpu.memory_space<hbm>> -> memref<1x624x128xf32, #tpu.memory_space<hbm>>
      %dma_wait3A_541 = tpu.memref_squeeze %dma_wait3A_540 : memref<1x624x128xf32, #tpu.memory_space<hbm>> -> memref<624x128xf32, #tpu.memory_space<hbm>>
      %dma_wait3A_542 = arith.constant 0 : i32
      %dma_wait3A_543 = tpu.memref_slice %arg10[%mul3A_530, %dma_wait3A_542] : memref<10000x128xf32, #tpu.memory_space<vmem_shared>> -> memref<624x128xf32, #tpu.memory_space<vmem_shared>>
      tpu.wait_dma2 semaphore(%run_scoped3A : memref<!tpu.dma_semaphore, #tpu.memory_space<semaphore_mem>>) src(%dma_wait3A_543 : memref<624x128xf32, #tpu.memory_space<vmem_shared>>) dst(%dma_wait3A_541 : memref<624x128xf32, #tpu.memory_space<hbm>>)
      tpu.yield
    }) : () -> ()
    %eq3A_531 = arith.constant 15 : i32
    %eq3A_532 = arith.cmpi eq, %arg1, %eq3A_531 : i32
    %convert_element_type3A_533 = arith.extui %eq3A_532 : i1 to i32
    %cond3A_534 = arith.constant 0 : i32
    %cond3A_535 = arith.cmpi ne, %convert_element_type3A_533, %cond3A_534 : i32
    scf.if %cond3A_535 {
      "tpu.region"() ({
        %run_scoped3A = tpu.sem_alloc : memref<!tpu.dma_semaphore, #tpu.memory_space<semaphore_mem>>
        %dma_start3A = arith.constant 9984 : i32
        %dma_start3A_536 = arith.constant 0 : i32
        %dma_start3A_537 = tpu.memref_slice %arg5[%arg0, %dma_start3A, %dma_start3A_536] : memref<2x10000x128xf32, #tpu.memory_space<hbm>> -> memref<1x16x128xf32, #tpu.memory_space<hbm>>
        %dma_start3A_538 = tpu.memref_squeeze %dma_start3A_537 : memref<1x16x128xf32, #tpu.memory_space<hbm>> -> memref<16x128xf32, #tpu.memory_space<hbm>>
        %dma_start3A_539 = arith.constant 9984 : i32
        %dma_start3A_540 = arith.constant 0 : i32
        %dma_start3A_541 = tpu.memref_slice %arg10[%dma_start3A_539, %dma_start3A_540] : memref<10000x128xf32, #tpu.memory_space<vmem_shared>> -> memref<16x128xf32, #tpu.memory_space<vmem_shared>>
        tpu.enqueue_dma source(%dma_start3A_541 : memref<16x128xf32, #tpu.memory_space<vmem_shared>>) target(%dma_start3A_538 : memref<16x128xf32, #tpu.memory_space<hbm>>) target_semaphore(%run_scoped3A : memref<!tpu.dma_semaphore, #tpu.memory_space<semaphore_mem>>)
        %dma_wait3A = arith.constant 9984 : i32
        %dma_wait3A_542 = arith.constant 0 : i32
        %dma_wait3A_543 = tpu.memref_slice %arg5[%arg0, %dma_wait3A, %dma_wait3A_542] : memref<2x10000x128xf32, #tpu.memory_space<hbm>> -> memref<1x16x128xf32, #tpu.memory_space<hbm>>
        %dma_wait3A_544 = tpu.memref_squeeze %dma_wait3A_543 : memref<1x16x128xf32, #tpu.memory_space<hbm>> -> memref<16x128xf32, #tpu.memory_space<hbm>>
        %dma_wait3A_545 = arith.constant 9984 : i32
        %dma_wait3A_546 = arith.constant 0 : i32
        %dma_wait3A_547 = tpu.memref_slice %arg10[%dma_wait3A_545, %dma_wait3A_546] : memref<10000x128xf32, #tpu.memory_space<vmem_shared>> -> memref<16x128xf32, #tpu.memory_space<vmem_shared>>
        tpu.wait_dma2 semaphore(%run_scoped3A : memref<!tpu.dma_semaphore, #tpu.memory_space<semaphore_mem>>) src(%dma_wait3A_547 : memref<16x128xf32, #tpu.memory_space<vmem_shared>>) dst(%dma_wait3A_544 : memref<16x128xf32, #tpu.memory_space<hbm>>)
        tpu.yield
      }) : () -> ()
    } else {
    }
    return
  }
}

#map = affine_map<(d0, d1) -> (0, 0, 0)>
module attributes {stable_mosaic.version = 14 : i64} {
  func.func @_hist_body(%arg0: i32, %arg1: i32, %arg2: memref<32x2x10000xi32, #tpu.memory_space<hbm>>, %arg3: memref<32x2x10000xf32, #tpu.memory_space<hbm>>, %arg4: memref<10000xi32, #tpu.memory_space<vmem>>, %arg5: memref<10000xi32, #tpu.memory_space<vmem>>, %arg6: memref<10000xf32, #tpu.memory_space<vmem>>, %arg7: memref<10000xf32, #tpu.memory_space<vmem>>) attributes {dimension_semantics = [#tpu.dimension_semantics<core_parallel>, #tpu.dimension_semantics<subcore_parallel>], iteration_bounds = array<i64: 2, 16>, scalar_prefetch = 0 : i64, scratch_operands = 4 : i64, tpu.core_type = #tpu.core_type<sc_vector_subcore>, window_params = [{transform_indices = #map}, {transform_indices = #map}]} {
    %mul3A = arith.constant 2 : i32
    %mul3A_0 = arith.muli %arg1, %mul3A : i32
    %add3A = arith.addi %mul3A_0, %arg0 : i32
    %run_scoped3A = arith.constant 0 : i32
    "tpu.region"() ({
      %run_scoped3A_20 = tpu.sem_alloc : memref<!tpu.dma_semaphore, #tpu.memory_space<semaphore_mem>>
      %dma_start3A = arith.constant 0 : i32
      %dma_start3A_21 = tpu.memref_slice %arg2[%add3A, %run_scoped3A, %dma_start3A] : memref<32x2x10000xi32, #tpu.memory_space<hbm>> -> memref<1x1x10000xi32, #tpu.memory_space<hbm>>
      %dma_start3A_22 = tpu.memref_squeeze %dma_start3A_21 : memref<1x1x10000xi32, #tpu.memory_space<hbm>> -> memref<10000xi32, #tpu.memory_space<hbm>>
      %dma_start3A_23 = arith.constant 0 : i32
      %dma_start3A_24 = tpu.memref_slice %arg2[%add3A, %run_scoped3A, %dma_start3A_23] : memref<32x2x10000xi32, #tpu.memory_space<hbm>> -> memref<1x1x10000xi32, #tpu.memory_space<hbm>>
      %dma_start3A_25 = tpu.memref_squeeze %dma_start3A_24 : memref<1x1x10000xi32, #tpu.memory_space<hbm>> -> memref<10000xi32, #tpu.memory_space<hbm>>
      tpu.enqueue_dma source(%dma_start3A_25 : memref<10000xi32, #tpu.memory_space<hbm>>) target(%arg4 : memref<10000xi32, #tpu.memory_space<vmem>>) target_semaphore(%run_scoped3A_20 : memref<!tpu.dma_semaphore, #tpu.memory_space<semaphore_mem>>)
      %dma_wait3A = arith.constant 0 : i32
      %dma_wait3A_26 = tpu.memref_slice %arg2[%add3A, %run_scoped3A, %dma_wait3A] : memref<32x2x10000xi32, #tpu.memory_space<hbm>> -> memref<1x1x10000xi32, #tpu.memory_space<hbm>>
      %dma_wait3A_27 = tpu.memref_squeeze %dma_wait3A_26 : memref<1x1x10000xi32, #tpu.memory_space<hbm>> -> memref<10000xi32, #tpu.memory_space<hbm>>
      %dma_wait3A_28 = arith.constant 0 : i32
      %dma_wait3A_29 = tpu.memref_slice %arg2[%add3A, %run_scoped3A, %dma_wait3A_28] : memref<32x2x10000xi32, #tpu.memory_space<hbm>> -> memref<1x1x10000xi32, #tpu.memory_space<hbm>>
      %dma_wait3A_30 = tpu.memref_squeeze %dma_wait3A_29 : memref<1x1x10000xi32, #tpu.memory_space<hbm>> -> memref<10000xi32, #tpu.memory_space<hbm>>
      tpu.wait_dma2 semaphore(%run_scoped3A_20 : memref<!tpu.dma_semaphore, #tpu.memory_space<semaphore_mem>>) src(%dma_wait3A_30 : memref<10000xi32, #tpu.memory_space<hbm>>) dst(%arg4 : memref<10000xi32, #tpu.memory_space<vmem>>)
      tpu.yield
    }) : () -> ()
    %run_scoped3A_1 = arith.constant 1 : i32
    "tpu.region"() ({
      %run_scoped3A_20 = tpu.sem_alloc : memref<!tpu.dma_semaphore, #tpu.memory_space<semaphore_mem>>
      %dma_start3A = arith.constant 0 : i32
      %dma_start3A_21 = tpu.memref_slice %arg2[%add3A, %run_scoped3A_1, %dma_start3A] : memref<32x2x10000xi32, #tpu.memory_space<hbm>> -> memref<1x1x10000xi32, #tpu.memory_space<hbm>>
      %dma_start3A_22 = tpu.memref_squeeze %dma_start3A_21 : memref<1x1x10000xi32, #tpu.memory_space<hbm>> -> memref<10000xi32, #tpu.memory_space<hbm>>
      %dma_start3A_23 = arith.constant 0 : i32
      %dma_start3A_24 = tpu.memref_slice %arg2[%add3A, %run_scoped3A_1, %dma_start3A_23] : memref<32x2x10000xi32, #tpu.memory_space<hbm>> -> memref<1x1x10000xi32, #tpu.memory_space<hbm>>
      %dma_start3A_25 = tpu.memref_squeeze %dma_start3A_24 : memref<1x1x10000xi32, #tpu.memory_space<hbm>> -> memref<10000xi32, #tpu.memory_space<hbm>>
      tpu.enqueue_dma source(%dma_start3A_25 : memref<10000xi32, #tpu.memory_space<hbm>>) target(%arg5 : memref<10000xi32, #tpu.memory_space<vmem>>) target_semaphore(%run_scoped3A_20 : memref<!tpu.dma_semaphore, #tpu.memory_space<semaphore_mem>>)
      %dma_wait3A = arith.constant 0 : i32
      %dma_wait3A_26 = tpu.memref_slice %arg2[%add3A, %run_scoped3A_1, %dma_wait3A] : memref<32x2x10000xi32, #tpu.memory_space<hbm>> -> memref<1x1x10000xi32, #tpu.memory_space<hbm>>
      %dma_wait3A_27 = tpu.memref_squeeze %dma_wait3A_26 : memref<1x1x10000xi32, #tpu.memory_space<hbm>> -> memref<10000xi32, #tpu.memory_space<hbm>>
      %dma_wait3A_28 = arith.constant 0 : i32
      %dma_wait3A_29 = tpu.memref_slice %arg2[%add3A, %run_scoped3A_1, %dma_wait3A_28] : memref<32x2x10000xi32, #tpu.memory_space<hbm>> -> memref<1x1x10000xi32, #tpu.memory_space<hbm>>
      %dma_wait3A_30 = tpu.memref_squeeze %dma_wait3A_29 : memref<1x1x10000xi32, #tpu.memory_space<hbm>> -> memref<10000xi32, #tpu.memory_space<hbm>>
      tpu.wait_dma2 semaphore(%run_scoped3A_20 : memref<!tpu.dma_semaphore, #tpu.memory_space<semaphore_mem>>) src(%dma_wait3A_30 : memref<10000xi32, #tpu.memory_space<hbm>>) dst(%arg5 : memref<10000xi32, #tpu.memory_space<vmem>>)
      tpu.yield
    }) : () -> ()
    %broadcast_in_dim3A = arith.constant 0.000000e+00 : f32
    %broadcast_in_dim3A_2 = vector.broadcast %broadcast_in_dim3A : f32 to vector<16xf32>
    %scan3A = arith.constant 0 : i32
    %scan3A_3 = arith.constant 0 : i32
    %scan3A_4 = arith.constant 625 : i32
    %scan3A_5 = arith.addi %scan3A_3, %scan3A_4 : i32
    %scan3A_6 = arith.constant 1 : i32
    %scan3A_7 = scf.for %scan3A_20 = %scan3A_3 to %scan3A_5 step %scan3A_6 iter_args(%scan3A_21 = %scan3A) -> (i32)  : i32 {
      %mul3A_22 = arith.constant 16 : i32
      %mul3A_23 = arith.muli %scan3A_20, %mul3A_22 : i32
      %swap3A = arith.index_cast %mul3A_23 : i32 to index
      %swap3A_24 = tpu.vector_load %arg6[%swap3A] {strides = array<i32>} : memref<10000xf32, #tpu.memory_space<vmem>>, vector<16xf32>,
      tpu.vector_store %arg6[%swap3A], %broadcast_in_dim3A_2 {strides = array<i32>} : memref<10000xf32, #tpu.memory_space<vmem>>, vector<16xf32>,
      %mul3A_25 = arith.constant 16 : i32
      %mul3A_26 = arith.muli %scan3A_20, %mul3A_25 : i32
      %swap3A_27 = arith.index_cast %mul3A_26 : i32 to index
      %swap3A_28 = tpu.vector_load %arg7[%swap3A_27] {strides = array<i32>} : memref<10000xf32, #tpu.memory_space<vmem>>, vector<16xf32>,
      tpu.vector_store %arg7[%swap3A_27], %broadcast_in_dim3A_2 {strides = array<i32>} : memref<10000xf32, #tpu.memory_space<vmem>>, vector<16xf32>,
      %scan3A_29 = arith.constant 0 : i32
      scf.yield %scan3A_29 : i32
    }
    %scan3A_8 = arith.constant 625 : i32
    %broadcast_in_dim3A_9 = arith.constant 1.000000e+00 : f32
    %broadcast_in_dim3A_10 = vector.broadcast %broadcast_in_dim3A_9 : f32 to vector<16xf32>
    %scan3A_11 = arith.constant 0 : i32
    %scan3A_12 = arith.constant 0 : i32
    %scan3A_13 = arith.constant 625 : i32
    %scan3A_14 = arith.addi %scan3A_12, %scan3A_13 : i32
    %scan3A_15 = arith.constant 1 : i32
    %scan3A_16 = scf.for %scan3A_20 = %scan3A_12 to %scan3A_14 step %scan3A_15 iter_args(%scan3A_21 = %scan3A_11) -> (i32)  : i32 {
      %mul3A_22 = arith.constant 16 : i32
      %mul3A_23 = arith.muli %scan3A_20, %mul3A_22 : i32
      %get3A = arith.index_cast %mul3A_23 : i32 to index
      %get3A_24 = tpu.vector_load %arg4[%get3A] {strides = array<i32>} : memref<10000xi32, #tpu.memory_space<vmem>>, vector<16xi32>,
      %mul3A_25 = arith.constant 16 : i32
      %mul3A_26 = arith.muli %scan3A_20, %mul3A_25 : i32
      %get3A_27 = arith.index_cast %mul3A_26 : i32 to index
      %get3A_28 = tpu.vector_load %arg5[%get3A_27] {strides = array<i32>} : memref<10000xi32, #tpu.memory_space<vmem>>, vector<16xi32>,
      tpu.vector_store_idx %arg6[%get3A_24], %broadcast_in_dim3A_10 {add = true} : memref<10000xf32, #tpu.memory_space<vmem>>[vector<16xi32>], vector<16xf32>,
      tpu.vector_store_idx %arg7[%get3A_28], %broadcast_in_dim3A_10 {add = true} : memref<10000xf32, #tpu.memory_space<vmem>>[vector<16xi32>], vector<16xf32>,
      %scan3A_29 = arith.constant 0 : i32
      scf.yield %scan3A_29 : i32
    }
    %scan3A_17 = arith.constant 625 : i32
    %run_scoped3A_18 = arith.constant 0 : i32
    "tpu.region"() ({
      %run_scoped3A_20 = tpu.sem_alloc : memref<!tpu.dma_semaphore, #tpu.memory_space<semaphore_mem>>
      %dma_start3A = arith.constant 0 : i32
      %dma_start3A_21 = tpu.memref_slice %arg3[%add3A, %run_scoped3A_18, %dma_start3A] : memref<32x2x10000xf32, #tpu.memory_space<hbm>> -> memref<1x1x10000xf32, #tpu.memory_space<hbm>>
      %dma_start3A_22 = tpu.memref_squeeze %dma_start3A_21 : memref<1x1x10000xf32, #tpu.memory_space<hbm>> -> memref<10000xf32, #tpu.memory_space<hbm>>
      %dma_start3A_23 = arith.constant 0 : i32
      %dma_start3A_24 = tpu.memref_slice %arg3[%add3A, %run_scoped3A_18, %dma_start3A_23] : memref<32x2x10000xf32, #tpu.memory_space<hbm>> -> memref<1x1x10000xf32, #tpu.memory_space<hbm>>
      %dma_start3A_25 = tpu.memref_squeeze %dma_start3A_24 : memref<1x1x10000xf32, #tpu.memory_space<hbm>> -> memref<10000xf32, #tpu.memory_space<hbm>>
      tpu.enqueue_dma source(%arg6 : memref<10000xf32, #tpu.memory_space<vmem>>) target(%dma_start3A_25 : memref<10000xf32, #tpu.memory_space<hbm>>) target_semaphore(%run_scoped3A_20 : memref<!tpu.dma_semaphore, #tpu.memory_space<semaphore_mem>>)
      %dma_wait3A = arith.constant 0 : i32
      %dma_wait3A_26 = tpu.memref_slice %arg3[%add3A, %run_scoped3A_18, %dma_wait3A] : memref<32x2x10000xf32, #tpu.memory_space<hbm>> -> memref<1x1x10000xf32, #tpu.memory_space<hbm>>
      %dma_wait3A_27 = tpu.memref_squeeze %dma_wait3A_26 : memref<1x1x10000xf32, #tpu.memory_space<hbm>> -> memref<10000xf32, #tpu.memory_space<hbm>>
      %dma_wait3A_28 = arith.constant 0 : i32
      %dma_wait3A_29 = tpu.memref_slice %arg3[%add3A, %run_scoped3A_18, %dma_wait3A_28] : memref<32x2x10000xf32, #tpu.memory_space<hbm>> -> memref<1x1x10000xf32, #tpu.memory_space<hbm>>
      %dma_wait3A_30 = tpu.memref_squeeze %dma_wait3A_29 : memref<1x1x10000xf32, #tpu.memory_space<hbm>> -> memref<10000xf32, #tpu.memory_space<hbm>>
      tpu.wait_dma2 semaphore(%run_scoped3A_20 : memref<!tpu.dma_semaphore, #tpu.memory_space<semaphore_mem>>) src(%arg6 : memref<10000xf32, #tpu.memory_space<vmem>>) dst(%dma_wait3A_30 : memref<10000xf32, #tpu.memory_space<hbm>>)
      tpu.yield
    }) : () -> ()
    %run_scoped3A_19 = arith.constant 1 : i32
    "tpu.region"() ({
      %run_scoped3A_20 = tpu.sem_alloc : memref<!tpu.dma_semaphore, #tpu.memory_space<semaphore_mem>>
      %dma_start3A = arith.constant 0 : i32
      %dma_start3A_21 = tpu.memref_slice %arg3[%add3A, %run_scoped3A_19, %dma_start3A] : memref<32x2x10000xf32, #tpu.memory_space<hbm>> -> memref<1x1x10000xf32, #tpu.memory_space<hbm>>
      %dma_start3A_22 = tpu.memref_squeeze %dma_start3A_21 : memref<1x1x10000xf32, #tpu.memory_space<hbm>> -> memref<10000xf32, #tpu.memory_space<hbm>>
      %dma_start3A_23 = arith.constant 0 : i32
      %dma_start3A_24 = tpu.memref_slice %arg3[%add3A, %run_scoped3A_19, %dma_start3A_23] : memref<32x2x10000xf32, #tpu.memory_space<hbm>> -> memref<1x1x10000xf32, #tpu.memory_space<hbm>>
      %dma_start3A_25 = tpu.memref_squeeze %dma_start3A_24 : memref<1x1x10000xf32, #tpu.memory_space<hbm>> -> memref<10000xf32, #tpu.memory_space<hbm>>
      tpu.enqueue_dma source(%arg7 : memref<10000xf32, #tpu.memory_space<vmem>>) target(%dma_start3A_25 : memref<10000xf32, #tpu.memory_space<hbm>>) target_semaphore(%run_scoped3A_20 : memref<!tpu.dma_semaphore, #tpu.memory_space<semaphore_mem>>)
      %dma_wait3A = arith.constant 0 : i32
      %dma_wait3A_26 = tpu.memref_slice %arg3[%add3A, %run_scoped3A_19, %dma_wait3A] : memref<32x2x10000xf32, #tpu.memory_space<hbm>> -> memref<1x1x10000xf32, #tpu.memory_space<hbm>>
      %dma_wait3A_27 = tpu.memref_squeeze %dma_wait3A_26 : memref<1x1x10000xf32, #tpu.memory_space<hbm>> -> memref<10000xf32, #tpu.memory_space<hbm>>
      %dma_wait3A_28 = arith.constant 0 : i32
      %dma_wait3A_29 = tpu.memref_slice %arg3[%add3A, %run_scoped3A_19, %dma_wait3A_28] : memref<32x2x10000xf32, #tpu.memory_space<hbm>> -> memref<1x1x10000xf32, #tpu.memory_space<hbm>>
      %dma_wait3A_30 = tpu.memref_squeeze %dma_wait3A_29 : memref<1x1x10000xf32, #tpu.memory_space<hbm>> -> memref<10000xf32, #tpu.memory_space<hbm>>
      tpu.wait_dma2 semaphore(%run_scoped3A_20 : memref<!tpu.dma_semaphore, #tpu.memory_space<semaphore_mem>>) src(%arg7 : memref<10000xf32, #tpu.memory_space<vmem>>) dst(%dma_wait3A_30 : memref<10000xf32, #tpu.memory_space<hbm>>)
      tpu.yield
    }) : () -> ()
    return
  }
}

module attributes {stable_mosaic.version = 14 : i64} {
  func.func @_scale_body(%arg0: i32, %arg1: memref<2000x128xf32, #tpu.memory_space<vmem>>, %arg2: memref<2000x32xf32, #tpu.memory_space<vmem>>, %arg3: memref<2000x128xf32, #tpu.memory_space<vmem>>) attributes {dimension_semantics = [#tpu.dimension_semantics<arbitrary>], iteration_bounds = array<i64: 5>, scalar_prefetch = 0 : i64, scratch_operands = 0 : i64, tpu.core_type = #tpu.core_type<tc>, window_params = [{transform_indices = @transform_0, window_bounds = array<i64: 2000, 128>}, {transform_indices = @transform_1, window_bounds = array<i64: 2000, 32>}, {transform_indices = @transform_2, window_bounds = array<i64: 2000, 128>}]} {
    %get3A = arith.constant 0 : index
    %get3A_0 = arith.constant 0 : index
    %get3A_1 = vector.load %arg2[%get3A, %get3A_0] : memref<2000x32xf32, #tpu.memory_space<vmem>>, vector<2000x32xf32>
    %reduce_sum3A = arith.constant dense<0.000000e+00> : vector<2000xf32>
    %reduce_sum3A_2 = vector.multi_reduction <add>, %get3A_1, %reduce_sum3A [1] : vector<2000x32xf32> to vector<2000xf32>
    %broadcast_in_dim3A = vector.shape_cast %reduce_sum3A_2 : vector<2000xf32> to vector<2000x1xf32>
    %max3A = arith.constant 1.000000e+00 : f32
    %max3A_3 = vector.broadcast %max3A : f32 to vector<2000x1xf32>
    %max3A_4 = arith.maximumf %broadcast_in_dim3A, %max3A_3 : vector<2000x1xf32>
    %rsqrt3A = math.rsqrt %max3A_4 : vector<2000x1xf32>
    %get3A_5 = arith.constant 0 : index
    %get3A_6 = arith.constant 0 : index
    %get3A_7 = vector.load %arg1[%get3A_5, %get3A_6] : memref<2000x128xf32, #tpu.memory_space<vmem>>, vector<2000x128xf32>
    %mul3A = vector.broadcast %rsqrt3A : vector<2000x1xf32> to vector<2000x128xf32>
    %mul3A_8 = arith.mulf %get3A_7, %mul3A : vector<2000x128xf32>
    %swap3A = arith.constant 0 : index
    %swap3A_9 = arith.constant 0 : index
    %swap3A_10 = vector.load %arg3[%swap3A, %swap3A_9] : memref<2000x128xf32, #tpu.memory_space<vmem>>, vector<2000x128xf32>
    tpu.vector_store %arg3[%swap3A, %swap3A_9], %mul3A_8 {strides = array<i32>} : memref<2000x128xf32, #tpu.memory_space<vmem>>, vector<2000x128xf32>,
    return
  }
  func.func @transform_0(%arg0: i32) -> (i32, i32) {
    %c0_i32 = arith.constant 0 : i32
    %c0_i32_0 = arith.constant 0 : i32
    return %arg0, %c0_i32 : i32, i32
  }
  func.func @transform_1(%arg0: i32) -> (i32, i32) {
    %c0_i32 = arith.constant 0 : i32
    %c0_i32_0 = arith.constant 0 : i32
    return %arg0, %c0_i32 : i32, i32
  }
  func.func @transform_2(%arg0: i32) -> (i32, i32) {
    %c0_i32 = arith.constant 0 : i32
    %c0_i32_0 = arith.constant 0 : i32
    return %arg0, %c0_i32 : i32, i32
  }
}

module attributes {stable_mosaic.version = 14 : i64} {
  func.func @_final_body(%arg0: i32, %arg1: memref<2x2000x128xf32, #tpu.memory_space<vmem>>, %arg2: memref<2000x32xf32, #tpu.memory_space<vmem>>, %arg3: memref<128x256xf32, #tpu.memory_space<vmem>>, %arg4: memref<1x256xf32, #tpu.memory_space<vmem>>, %arg5: memref<2000x256xf32, #tpu.memory_space<vmem>>) attributes {dimension_semantics = [#tpu.dimension_semantics<arbitrary>], iteration_bounds = array<i64: 5>, scalar_prefetch = 0 : i64, scratch_operands = 0 : i64, tpu.core_type = #tpu.core_type<tc>, window_params = [{transform_indices = @transform_0, window_bounds = array<i64: 2, 2000, 128>}, {transform_indices = @transform_1, window_bounds = array<i64: 2000, 32>}, {pipeline_mode = #tpu.pipeline_mode<synchronous>, transform_indices = @transform_2, window_bounds = array<i64: 128, 256>}, {pipeline_mode = #tpu.pipeline_mode<synchronous>, transform_indices = @transform_3, window_bounds = array<i64: 1, 256>}, {transform_indices = @transform_4, window_bounds = array<i64: 2000, 256>}]} {
    %get3A = arith.constant 0 : index
    %get3A_0 = arith.constant 0 : index
    %get3A_1 = arith.constant 0 : index
    %get3A_2 = vector.load %arg1[%get3A, %get3A_0, %get3A_1] : memref<2x2000x128xf32, #tpu.memory_space<vmem>>, vector<1x2000x128xf32>
    %get3A_3 = vector.shape_cast %get3A_2 : vector<1x2000x128xf32> to vector<2000x128xf32>
    %get3A_4 = arith.constant 1 : index
    %get3A_5 = arith.constant 0 : index
    %get3A_6 = arith.constant 0 : index
    %get3A_7 = vector.load %arg1[%get3A_4, %get3A_5, %get3A_6] : memref<2x2000x128xf32, #tpu.memory_space<vmem>>, vector<1x2000x128xf32>
    %get3A_8 = vector.shape_cast %get3A_7 : vector<1x2000x128xf32> to vector<2000x128xf32>
    %add3A = arith.addf %get3A_3, %get3A_8 : vector<2000x128xf32>
    %get3A_9 = arith.constant 0 : index
    %get3A_10 = arith.constant 0 : index
    %get3A_11 = vector.load %arg2[%get3A_9, %get3A_10] : memref<2000x32xf32, #tpu.memory_space<vmem>>, vector<2000x32xf32>
    %reduce_sum3A = arith.constant dense<0.000000e+00> : vector<2000xf32>
    %reduce_sum3A_12 = vector.multi_reduction <add>, %get3A_11, %reduce_sum3A [1] : vector<2000x32xf32> to vector<2000xf32>
    %broadcast_in_dim3A = vector.shape_cast %reduce_sum3A_12 : vector<2000xf32> to vector<2000x1xf32>
    %max3A = arith.constant 1.000000e+00 : f32
    %max3A_13 = vector.broadcast %max3A : f32 to vector<2000x1xf32>
    %max3A_14 = arith.maximumf %broadcast_in_dim3A, %max3A_13 : vector<2000x1xf32>
    %rsqrt3A = math.rsqrt %max3A_14 : vector<2000x1xf32>
    %mul3A = vector.broadcast %rsqrt3A : vector<2000x1xf32> to vector<2000x128xf32>
    %mul3A_15 = arith.mulf %add3A, %mul3A : vector<2000x128xf32>
    %get3A_16 = arith.constant 0 : index
    %get3A_17 = arith.constant 0 : index
    %get3A_18 = vector.load %arg3[%get3A_16, %get3A_17] : memref<128x256xf32, #tpu.memory_space<vmem>>, vector<128x256xf32>
    %dot_general3A = arith.constant dense<0.000000e+00> : vector<2000x256xf32>
    %dot_general3A_19 = tpu.matmul %mul3A_15, %get3A_18, %dot_general3A {dimension_numbers = #tpu.dot_dimension_numbers<[1], [0], [0], [1], [0, 0, 1, 1], [], []>, transpose_lhs_hint = false} : vector<2000x128xf32>, vector<128x256xf32>, vector<2000x256xf32> -> vector<2000x256xf32>
    %get3A_20 = arith.constant 0 : index
    %get3A_21 = arith.constant 0 : index
    %get3A_22 = vector.load %arg4[%get3A_20, %get3A_21] : memref<1x256xf32, #tpu.memory_space<vmem>>, vector<1x256xf32>
    %add3A_23 = vector.broadcast %get3A_22 : vector<1x256xf32> to vector<2000x256xf32>
    %add3A_24 = arith.addf %dot_general3A_19, %add3A_23 : vector<2000x256xf32>
    %max3A_25 = arith.constant 0.000000e+00 : f32
    %max3A_26 = vector.broadcast %max3A_25 : f32 to vector<2000x256xf32>
    %max3A_27 = arith.maximumf %add3A_24, %max3A_26 : vector<2000x256xf32>
    %swap3A = arith.constant 0 : index
    %swap3A_28 = arith.constant 0 : index
    %swap3A_29 = vector.load %arg5[%swap3A, %swap3A_28] : memref<2000x256xf32, #tpu.memory_space<vmem>>, vector<2000x256xf32>
    tpu.vector_store %arg5[%swap3A, %swap3A_28], %max3A_27 {strides = array<i32>} : memref<2000x256xf32, #tpu.memory_space<vmem>>, vector<2000x256xf32>,
    return
  }
  func.func @transform_0(%arg0: i32) -> (i32, i32, i32) {
    %c0_i32 = arith.constant 0 : i32
    %c0_i32_0 = arith.constant 0 : i32
    %c0_i32_1 = arith.constant 0 : i32
    return %c0_i32, %arg0, %c0_i32_0 : i32, i32, i32
  }
  func.func @transform_1(%arg0: i32) -> (i32, i32) {
    %c0_i32 = arith.constant 0 : i32
    %c0_i32_0 = arith.constant 0 : i32
    return %arg0, %c0_i32 : i32, i32
  }
  func.func @transform_2(%arg0: i32) -> (i32, i32) {
    %c0_i32 = arith.constant 0 : i32
    %c0_i32_0 = arith.constant 0 : i32
    %c0_i32_1 = arith.constant 0 : i32
    return %c0_i32, %c0_i32_0 : i32, i32
  }
  func.func @transform_3(%arg0: i32) -> (i32, i32) {
    %c0_i32 = arith.constant 0 : i32
    %c0_i32_0 = arith.constant 0 : i32
    %c0_i32_1 = arith.constant 0 : i32
    return %c0_i32, %c0_i32_0 : i32, i32
  }
  func.func @transform_4(%arg0: i32) -> (i32, i32) {
    %c0_i32 = arith.constant 0 : i32
    %c0_i32_0 = arith.constant 0 : i32
    return %arg0, %c0_i32 : i32, i32
  }
}

</mosaic_0001>

<sc_bundles>
// kernel: kernel.6.cloned.1.call-start
scs
__scs_entry_jumppad:
0x0: {  	(pc) =	sbr.rel $0x88, $3  }
0x1: {  	(tag) =	ssettag $0x0;
	lr =	simm.s32 $0x1  }
0x2: {  	[smem:$0x3F9D] =	sst lr;
	_ =	strace $0xD0000000  }
0x3: {  	_ = 	snop  }
0x4: {  	_ = 	snop  }
0x5: {  	_ = 	snop  }
0x6: {  	_ = 	snop  }
0x7: {  	_ = 	snop  }
__scs_overlays_trampoline_lowered:
0x8: {  	[smem:$0x3FAC] =	sst s0  }
0x9: {  	[smem:$0x3FAD] =	sst s1  }
0xa: {  	[smem:$0x3FAE] =	sst s2  }
0xb: {  	[smem:$0x3FAF] =	sst s3  }
0xc: {  	[smem:$0x3FB0] =	sst s4  }
0xd: {  	[smem:$0x3FB1] =	sst s5  }
0xe: {  	[smem:$0x3FB2] =	sst s6  }
0xf: {  	[smem:$0x3FB3] =	sst s7  }
0x10: {  	[smem:$0x3FB4] =	sst s8  }
0x11: {  	[smem:$0x3FB5] =	sst s9;
	s0 =	simm.s32 @!p0 $0x0  }
0x12: {  	s1 =	sld [smem:$0x3F9B];
	s0 =	simm.s32 @p0 $0x1  }
0x13: {  	[smem:$0x3FB6] =	sst s0;
	s0 =	simm.s32 @!p1 $0x0  }
0x14: {  	s2 =	sld [smem:$0x3F9A];
	s0 =	simm.s32 @p1 $0x1  }
0x15: {  	[smem:$0x3FB7] =	sst s0;
	s0 =	simm.s32 @!p2 $0x0  }
0x16: {  	s3 =	sld [smem:$0x3FDB];
	s0 =	simm.s32 @p2 $0x1  }
0x17: {  	s4 =	simm.s32 $0x1BF5;
	[smem:$0x3FB9] =	sst s0  }
0x18: {  	s0 =	sld [smem:$0x3F9C];
	_ =	swait.ge [sflag:s4], $0x0  }
0x19: {  	s7 =	sld [smem:$0x3F9D]  }
0x1a: {  	s8 =	sadd.s32 $0xFFFFE003, lr  }
0x1b: {  	s9 =	sadd.s32 $0xFFFFFEF7, lr;
	s5 =	simm.s32 $0xFFFFFFFF;
	p2 =	slt.u32 s8, $0xFFFFF086  }
0x1c: {  	p1 =	slt.u32 s9, $0xF7A;
	s5 =	simm.s32 @!p2 $0x0  }
0x1d: {  	s5 =	simm.s32 @p1 $0x1;
	p0 =	seq.s32 s7, s2  }
0x1e: {  	s7 =	smul.u32 @!p0 $0xF7A, s2;
	p2 =	seq.s32 @!p0 s5, $0x0  }
0x1f: {  	s9 =	smul.u32 $0xF7A, s1;
	s8 =	simm.s32 @!p0 $0x1BF5;
	p2 =	por !p2, p0  }
0x20: {  	[sflag:s8] =	ssyncset.s32 @!p0 $0xFFFFF086;
	s6 =	sadd.s32 @!p0 s3, s7;
	s7 =	simm.s32 @!p0 $0x108  }
0x21: {  	s3 =	sadd.s32 s3, s9;
	s6 =	sadd.s32 @!p0 $0x88, s6;
	s7 =	simm.s32 @p2 $0x1082  }
0x22: {  	[simem:s7], [sflag:s8] =	dma.local @!p0 [hbm:s6], $0xF7A  }
0x23: {  	s9 =	sor.u32 $0xD0000000, s2;
	s6 =	simm.s32 $0x108;
	_ =	swait.ge @!p0 [sflag:s8], $0x0  }
0x24: {  	s3 =	sadd.s32 $0x88, s3;
	s6 =	simm.s32 @!p1 $0x1082;
	[sflag:s4] =	ssyncset.s32 $0xFFFFF086  }
0x25: {  	[simem:s6], [sflag:s4] =	dma.local [hbm:s3], $0xF7A  }
0x26: {  	[smem:$0x3F9D] =	sst s1;
	(tag) =	ssettag s2;
	_ =	strace s9  }
0x27: {  	s1 =	sld [smem:$0x3FAD]  }
0x28: {  	s2 =	sld [smem:$0x3FAE]  }
0x29: {  	s4 =	sld [smem:$0x3FB0]  }
0x2a: {  	p0 =	seq.s32 s5, $0x0;
	s5 =	sld [smem:$0x3FB1]  }
0x2b: {  	s6 =	sld [smem:$0x3FB2]  }
0x2c: {  	s7 =	sld [smem:$0x3FB3]  }
0x2d: {  	s3 =	simm.s32 $0x108;
	s8 =	sld [smem:$0x3FB4]  }
0x2e: {  	s3 =	simm.s32 @!p0 $0x1082;
	s9 =	sld [smem:$0x3FB5]  }
0x2f: {  	lr =	sadd.s32 s0, s3;
	s0 =	sld [smem:$0x3FAC]  }
0x30: {  	s3 =	sld [smem:$0x3FAF]  }
0x31: {  	[smem:$0x3FB8] =	sst s10  }
0x32: {  	s10 =	sld [smem:$0x3FB6];
	_ =	sdelay $0x3  }
0x33: {  	p0 =	seq.s32 s10, $0x1;
	s10 =	sld [smem:$0x3FB8];
	_ =	sdelay $0x3  }
0x34: {  	[smem:$0x3FB8] =	sst s10  }
0x35: {  	s10 =	sld [smem:$0x3FB7];
	_ =	sdelay $0x3  }
0x36: {  	p1 =	seq.s32 s10, $0x1;
	s10 =	sld [smem:$0x3FB8];
	_ =	sdelay $0x3  }
0x37: {  	[smem:$0x3FB8] =	sst s10  }
0x38: {  	s10 =	sld [smem:$0x3FB9]  }
0x39: {  	_ = 	snop;
	(pc) =	sbr.ind lr, $3  }
0x3a: {  	_ = 	snop  }
0x3b: {  	_ = 	snop  }
0x3c: {  	p2 =	seq.s32 s10, $0x1;
	s10 =	sld [smem:$0x3FB8]  }
0x3d: {  	_ =	shalt  }
0x3e: {  	_ =	shalt  }
0x3f: {  	_ =	shalt  }
0x40: {  	_ =	shalt  }
0x41: {  	_ =	shalt  }
0x42: {  	_ =	shalt  }
0x43: {  	_ =	shalt  }
0x44: {  	_ =	shalt  }
0x45: {  	_ =	shalt  }
0x46: {  	_ =	shalt  }
0x47: {  	_ =	shalt  }
0x48: {  	_ =	shalt  }
0x49: {  	_ =	shalt  }
0x4a: {  	_ =	shalt  }
0x4b: {  	_ =	shalt  }
0x4c: {  	_ =	shalt  }
0x4d: {  	_ =	shalt  }
0x4e: {  	_ =	shalt  }
0x4f: {  	_ =	shalt  }
0x50: {  	_ =	shalt  }
0x51: {  	_ =	shalt  }
0x52: {  	_ =	shalt  }
0x53: {  	_ =	shalt  }
0x54: {  	_ =	shalt  }
0x55: {  	_ =	shalt  }
0x56: {  	_ =	shalt  }
0x57: {  	_ =	shalt  }
0x58: {  	_ =	shalt  }
0x59: {  	_ =	shalt  }
0x5a: {  	_ =	shalt  }
0x5b: {  	_ =	shalt  }
0x5c: {  	_ =	shalt  }
0x5d: {  	_ =	shalt  }
0x5e: {  	_ =	shalt  }
0x5f: {  	_ =	shalt  }
0x60: {  	_ =	shalt  }
0x61: {  	_ =	shalt  }
0x62: {  	_ =	shalt  }
0x63: {  	_ =	shalt  }
0x64: {  	_ =	shalt  }
0x65: {  	_ =	shalt  }
0x66: {  	_ =	shalt  }
0x67: {  	_ =	shalt  }
0x68: {  	_ =	shalt  }
0x69: {  	_ =	shalt  }
0x6a: {  	_ =	shalt  }
0x6b: {  	_ =	shalt  }
0x6c: {  	_ =	shalt  }
0x6d: {  	_ =	shalt  }
0x6e: {  	_ =	shalt  }
0x6f: {  	_ =	shalt  }
0x70: {  	_ =	shalt  }
0x71: {  	_ =	shalt  }
0x72: {  	_ =	shalt  }
0x73: {  	_ =	shalt  }
0x74: {  	_ =	shalt  }
0x75: {  	_ =	shalt  }
0x76: {  	_ =	shalt  }
0x77: {  	_ =	shalt  }
0x78: {  	_ =	shalt  }
0x79: {  	_ =	shalt  }
0x7a: {  	_ =	shalt  }
0x7b: {  	_ =	shalt  }
0x7c: {  	_ =	shalt  }
0x7d: {  	_ =	shalt  }
0x7e: {  	_ =	shalt  }
0x7f: {  	_ =	shalt  }
0x80: {  	_ =	shalt  }
0x81: {  	_ =	shalt  }
0x82: {  	_ =	shalt  }
0x83: {  	_ =	shalt  }
0x84: {  	_ =	shalt  }
0x85: {  	_ =	shalt  }
0x86: {  	_ =	shalt  }
0x87: {  	_ =	shalt  }
.Lfunc_end0:
.L_simem_size_0:
called_computation_lowered:
.L_overlay_start_0:
0x88: {  	s2 =	sld [smem:$0x3FD9]  }
0x89: {  	s3 =	sld [smem:$0x3FFE];
	_ =	sdelay $0x1  }
0x8a: {  	s1 =	srdreg.scid  }
0x8b: {  	s0 =	sand.u32 $0x1, s1  }
0x8c: {  	s17 =	sshll.u32 s0, $0xA;
	s2 =	sadd.s32 s3, s2  }
0x8d: {  	s2 =	sadd.s32 s2, s17  }
0x8e: {  	[smem:$0x3FC4] =	sst s2  }
0x8f: {  	_ = 	snop  }
0x90: {  	s2 =	sld [smem:$0x3FD0];
	(tm) =	ssettm $0x1  }
0x91: {  	s18 =	sld [smem:$0x3FFB];
	_ =	sdelay $0x3  }
0x92: {  	_ =	strace s18  }
0x93: {  	s3 =	sld [smem:$0x3FFC];
	_ =	sdelay $0x3  }
0x94: {  	_ =	strace s3  }
0x95: {  	s3 =	sld [smem:$0x3FFD];
	_ =	sdelay $0x3  }
0x96: {  	_ =	strace s3  }
0x97: {  	_ =	strace $0x8FFFFFFF  }
0x98: {  	s19 =	sld [smem:$0x3FDB];
	_ =	sdelay $0x1  }
0x99: {  	s4 =	simm.s32 $_scs_section_size  }
0x9a: {  	s5 =	simm.s32 $_size__tile_overlayer_lowered;
	s6 =	simm.s32 $_tile_overlayer_lowered  }
0x9b: {  	s22 =	simm.s32 $0x1BFF;
	s21 =	sshll.u32 s6, $0x1;
	s3 =	sadd.s32 s4, s19  }
0x9c: {  	s7 =	simm.s32 $0x0;
	s20 =	sshll.u32 s5, $0x1;
	s5 =	sadd.s32 s21, s3  }
0x9d: {  	[timem:s7], [sflag:s22] =	dma.local [hbm:s5], s20  }
0x9e: {  	_ =	swait.ge [sflag:s22], s20  }
0x9f: {  	s4 =	ssub.s32 $0x0, s20;
	[sflag:s22] =	ssyncset.done $0x0  }
0xa0: {  	[sflag:s22] =	ssyncadd.s32 s4;
	_ =	sdelay $0x1  }
0xa1: {  	s23 =	simm.s32 $0x1B8B  }
0xa2: {  	_ =	swait.ge [sflag:s23], $0x1  }
0xa3: {  	[sflag:s23] =	ssyncset.done $0x0  }
0xa4: {  	s25 =	simm.s32 $0x1B8E;
	s24 =	sld [smem:$0x3FFE];
	[sflag:s23] =	ssyncadd.s32 $0xFFFFFFFF  }
0xa5: {  	s26 =	simm.s32 $execute0_lowered;
	[smem:$0x3FD2] =	sst s25  }
0xa6: {  	s5 =	sshll.u32 s26, $0x1;
	_ =	strace $0x80000046;
	[dreg:$0x1] =	wrdreg $0xFFFFFFFF  }
0xa7: {  	s28 =	simm.s32 $_size_execute0_lowered;
	s3 =	sadd.s32 s3, s5;
	[dreg:$0x0] =	wrdreg $0x0  }
0xa8: {  	s5 =	sshll.u32 s28, $0x1;
	[dreg:$0x2] =	wrdreg s3  }
0xa9: {  	[dreg:$0x3] =	wrdreg s5  }
0xaa: {  	[dreg:$0x4] =	wrdreg $0xC0  }
0xab: {  	_ =	task [dreg:s7], $0x5FFFF  }
0xac: {  	[dreg:$0x1] =	wrdreg $0xFFFFFFFF  }
0xad: {  	[dreg:$0x0] =	wrdreg $0x60  }
0xae: {  	[dreg:$0x2] =	wrdreg s2  }
0xaf: {  	[dreg:$0x3] =	wrdreg s24  }
0xb0: {  	[dreg:$0x4] =	wrdreg $0x9  }
0xb1: {  	_ =	task.clear_ibuf [dreg:s7], $0x5FFFF;
	_ =	strace $0x90000046  }
0xb2: {  	s29 =	simm.s32 $0x9;
	_ =	strace $0x80000048  }
0xb3: {  	_ =	swait.ge [sflag:s29], $0x1  }
0xb4: {  	[sflag:s29] =	ssyncadd.s32 $0xFFFFFFFF  }
0xb5: {  	_ =	strace $0x90000048  }
0xb6: {  	_ =	sfence  }
0xb7: {  	s30 =	sld [smem:$0x0];
	_ =	sdelay $0x2  }
0xb8: {  	s31 =	sshll.u32 s1, $0xD;
	s1 =	sshrl.u32 s1, $0x2  }
0xb9: {  	s3 =	sand.u32 $0x4000, s31;
	s1 =	sadd.s32 s1, s30  }
0xba: {  	s0 =	sor.u32 s3, s0;
	s1 =	sshll.u32 s1, $0x11  }
0xbb: {  	s0 =	sor.u32 s1, s0  }
0xbc: {  	s0 =	sadd.s32 $0x8F2B, s0  }
0xbd: {  	[sflag:s0] =	ssyncadd.remote.s32 $0x1  }
0xbe: {  	_ =	sfence.sel $0xFFFF  }
0xbf: {  	[dreg:$0x0] =	wrdreg $0xFFFFFFFF;
	(pc) =	sbr.abs _section_cstart, $3  }
0xc0: {  	[dreg:$0x1] =	wrdreg $0xFFFFFFFF  }
0xc1: {  	_ =	task.clear_ibuf [dreg:s7], $0x2FFFF;
	_ =	strace $0x9FFFFFFF  }
0xc2: {  	(tm) =	ssettm $0x7FFFFFFF  }
0xc3: {  	_ =	shalt  }
tec
execute0_lowered:
.L_overlay_start_1:
0x0: {  	(tag) =	ssettag $0x1  }
0x1: {  	s4 =	rddreg [dreg:$0x0];
	s1 =	srdreg.scid  }
0x2: {  	s0 =	stileid.u32;
	s3 =	rddreg [dreg:$0x1];
	s2 =	simm.s32 $0x0  }
0x3: {  	s10 =	simm.s32 $0x1;
	s11 =	simm.s32 $0x2780;
	s12 =	simm.s32 $0x4F00  }
0x4: {  	s13 =	simm.s32 $0x7680;
	s5 =	sand.u32 $0x1, s1;
	s6 =	sshll.u32 s0, $0x1  }
0x5: {  	s14 =	simm.s32 $0x0;
	s1 =	rddreg [dreg:$0x2];
	s6 =	sor.u32 s5, s6  }
0x6: {  	[smem:$0x7FF] =	sst s2;
	s5 =	ssub.s32 $0x2, s5;
	s6 =	smul.u32 $0x9E0, s6  }
0x7: {  	s8 =	sadd.s32 $0x1400, s3;
	_ =	strace $0x80000047;
	s7 =	sshrl.u32 s5, $0x1  }
0x8: {  	s7 =	ssub.s32 s5, s7;
	s9 =	sor.u32 $0x10, s6;
	s3 =	sadd.s32 s4, s6  }
0x9: {  	s5 =	sadd.s32 s8, s6;
	s7 =	smax.u32 s7, $0x1;
	s4 =	sadd.s32 s4, s9  }
0xa: {  	v0 =	vimm.f32 $0.0e+00;
	v1 =	vimm.f32 $1.000000000e+00;
	s6 =	sadd.s32 s8, s9;
	s8 =	simm.s32 $0x80;
	s9 =	simm.s32 $0x100  }
.LBB2_1:
0xb: {  	[tilespmem:s2], [sflag:$0x1] =	stream.strided.gather [hbm4b:s3+s8], $0x2780, s9, s8, $0x38;
	[tilespmem:$0x9E00] =	vst v63  }
0xc: {  	_ =	swait.ge [sflag:s10], $0x2780  }
0xd: {  	[sflag:s10] =	ssyncset.done $0x0  }
0xe: {  	[sflag:s10] =	ssyncadd.s32 $0xFFFFD880  }
0xf: {  	[tilespmem:s11], [sflag:$0x1] =	stream.strided.gather [hbm4b:s4+s8], $0x2780, s9, s8, $0x38;
	[tilespmem:$0x9E00] =	vst v63  }
0x10: {  	_ =	swait.ge [sflag:s10], $0x2780  }
0x11: {  	[sflag:s10] =	ssyncset.done $0x0  }
0x12: {  	s15 =	simm.s32 $0x0;
	[sflag:s10] =	ssyncadd.s32 $0xFFFFD880  }
.LBB2_2:
0x13: {  	p0 =	sne.s32 s15, $0x9C00  }
.Ltmp0:
0x14: {  	_ = 	snop;
	(pc) =	sbr.rel @p0 .LBB2_2-.Ltmp0, $4  }
0x15: {  	_ = 	snop  }
0x16: {  	s16 =	sshra.s32 s15, $0x2  }
0x17: {  	[tilespmem:s16+$0x4F00] =	vst v0  }
0x18: {  	s15 =	sadd.s32 $0x40, s15;
	[tilespmem:s16+$0x7680] =	vst v0  }
0x19: {  	s16 =	simm.s32 $0x0  }
0x1a: {  	s15 =	simm.s32 $0x40;
	v2 =	vld [tilespmem:s16+$0x0]  }
.LBB2_4:
0x1b: {  	p0 =	sne.s32 s15, $0x9C00;
	v3 =	vld [tilespmem:s16+$0x2780];
	_ =	sdelay $0x4  }
.Ltmp1:
0x1c: {  	(pc) =	sbr.rel @p0 .LBB2_4-.Ltmp1, $4  }
0x1d: {  	_ = 	snop  }
0x1e: {  	[tilespmem:v2+s12+$0x0] =	vst.idx.add.f32.msk $0xffff, v1  }
0x1f: {  	s16 =	sshra.s32 s15, $0x2;
	[tilespmem:v3+s13+$0x0] =	vst.idx.add.f32.msk $0xffff, v1  }
0x20: {  	s15 =	sadd.s32 $0x40, s15;
	v2 =	vld [tilespmem:s16+$0x0]  }
0x21: {  	_ = 	snop  }
0x22: {  	v3 =	vld [tilespmem:s16+$0x2780];
	_ =	sdelay $0x6  }
0x23: {  	[tilespmem:v2+s12+$0x0] =	vst.idx.add.f32.msk $0xffff, v1  }
0x24: {  	[tilespmem:v3+s13+$0x0] =	vst.idx.add.f32.msk $0xffff, v1  }
0x25: {  	[hbm4b:s5+s8] =	stream.strided.scatter [tilespmem:s12], [sflag:$0x1], $0x2780, s9, s8, $0x38;
	[tilespmem:$0x9E00] =	vst v63  }
0x26: {  	s14 =	sadd.s32 $0x1, s14;
	_ =	swait.ge [sflag:s10], $0x2780  }
0x27: {  	p0 =	sne.s32 s14, s7;
	[sflag:s10] =	ssyncset.done $0x0  }
.Ltmp2:
0x28: {  	[sflag:s10] =	ssyncadd.s32 $0xFFFFD880;
	(pc) =	sbr.rel @p0 .LBB2_1-.Ltmp2, $4  }
0x29: {  	[hbm4b:s6+s8] =	stream.strided.scatter [tilespmem:s13], [sflag:$0x1], $0x2780, s9, s8, $0x38;
	[tilespmem:$0x9E00] =	vst v63  }
0x2a: {  	_ =	swait.ge [sflag:s10], $0x2780  }
0x2b: {  	[sflag:s10] =	ssyncset.done $0x0  }
0x2c: {  	[sflag:s10] =	ssyncadd.s32 $0xFFFFD880  }
0x2d: {  	_ =	sfence.sel $0x180000  }
0x2e: {  	[bflag:$0x0] =	sbarrier.arrive $0xFFFF  }
0x2f: {  	p0 =	sne.s32 s0, $0x0;
	_ =	strace $0x90000047  }
0x30: {  	s0 =	sadd.s32 @!p0 $0x100000, s1;
	[bflag:$0x2] =	sbarrier.arrive $0xFFFF  }
0x31: {  	[sflag:s0] =	ssyncadd.tile.s32 @!p0 $0x1;
	_ =	shalt  }
.Lfunc_end2:
_tile_overlayer_lowered:
.L_overlay_start_2:
0x32: {  	(tag) =	ssettag $0x2  }
0x33: {  	s0 =	rddreg [dreg:$0x0];
	s2 =	stileid.u32  }
0x34: {  	s1 =	rddreg [dreg:$0x1];
	p0 =	sne.s32 s2, $0x0  }
0x35: {  	s3 =	rddreg [dreg:$0x2];
	[bflag:$0x3] =	sbarrier.arrive $0xFFFF;
	s2 =	simm.s32 @!p0 $0x1C01  }
0x36: {  	[timem:s3], [sflag:s2] =	dma.local @!p0 [hbm:s0], s1  }
0x37: {  	s0 =	simm.s32 @!p0 $0x1  }
0x38: {  	_ =	swait.ge @!p0 [sflag:s0], s1  }
0x39: {  	s1 =	ssub.s32 @!p0 $0x0, s1;
	[sflag:s0] =	ssyncset.done @!p0 $0x0  }
0x3a: {  	[sflag:s0] =	ssyncadd.s32 @!p0 s1  }
0x3b: {  	[bflag:$0x3] =	sbarrier.arrive $0xFFFF  }
0x3c: {  	_ =	shalt  }

// kernel: kernel.9.cloned.1.call-start
scs
__scs_entry_jumppad:
0x0: {  	(pc) =	sbr.rel $0x88, $3  }
0x1: {  	(tag) =	ssettag $0x0;
	lr =	simm.s32 $0x1  }
0x2: {  	[smem:$0x3F9D] =	sst lr;
	_ =	strace $0xD0000000  }
0x3: {  	_ = 	snop  }
0x4: {  	_ = 	snop  }
0x5: {  	_ = 	snop  }
0x6: {  	_ = 	snop  }
0x7: {  	_ = 	snop  }
__scs_overlays_trampoline_lowered:
0x8: {  	[smem:$0x3FAC] =	sst s0  }
0x9: {  	[smem:$0x3FAD] =	sst s1  }
0xa: {  	[smem:$0x3FAE] =	sst s2  }
0xb: {  	[smem:$0x3FAF] =	sst s3  }
0xc: {  	[smem:$0x3FB0] =	sst s4  }
0xd: {  	[smem:$0x3FB1] =	sst s5  }
0xe: {  	[smem:$0x3FB2] =	sst s6  }
0xf: {  	[smem:$0x3FB3] =	sst s7  }
0x10: {  	[smem:$0x3FB4] =	sst s8  }
0x11: {  	[smem:$0x3FB5] =	sst s9;
	s0 =	simm.s32 @!p0 $0x0  }
0x12: {  	s1 =	sld [smem:$0x3F9B];
	s0 =	simm.s32 @p0 $0x1  }
0x13: {  	[smem:$0x3FB6] =	sst s0;
	s0 =	simm.s32 @!p1 $0x0  }
0x14: {  	s2 =	sld [smem:$0x3F9A];
	s0 =	simm.s32 @p1 $0x1  }
0x15: {  	[smem:$0x3FB7] =	sst s0;
	s0 =	simm.s32 @!p2 $0x0  }
0x16: {  	s3 =	sld [smem:$0x3FDB];
	s0 =	simm.s32 @p2 $0x1  }
0x17: {  	s4 =	simm.s32 $0x1BF5;
	[smem:$0x3FB9] =	sst s0  }
0x18: {  	s0 =	sld [smem:$0x3F9C];
	_ =	swait.ge [sflag:s4], $0x0  }
0x19: {  	s7 =	sld [smem:$0x3F9D]  }
0x1a: {  	s8 =	sadd.s32 $0xFFFFE003, lr  }
0x1b: {  	s9 =	sadd.s32 $0xFFFFFEF7, lr;
	s5 =	simm.s32 $0xFFFFFFFF;
	p2 =	slt.u32 s8, $0xFFFFF086  }
0x1c: {  	p1 =	slt.u32 s9, $0xF7A;
	s5 =	simm.s32 @!p2 $0x0  }
0x1d: {  	s5 =	simm.s32 @p1 $0x1;
	p0 =	seq.s32 s7, s2  }
0x1e: {  	s7 =	smul.u32 @!p0 $0xF7A, s2;
	p2 =	seq.s32 @!p0 s5, $0x0  }
0x1f: {  	s9 =	smul.u32 $0xF7A, s1;
	s8 =	simm.s32 @!p0 $0x1BF5;
	p2 =	por !p2, p0  }
0x20: {  	[sflag:s8] =	ssyncset.s32 @!p0 $0xFFFFF086;
	s6 =	sadd.s32 @!p0 s3, s7;
	s7 =	simm.s32 @!p0 $0x108  }
0x21: {  	s3 =	sadd.s32 s3, s9;
	s6 =	sadd.s32 @!p0 $0x88, s6;
	s7 =	simm.s32 @p2 $0x1082  }
0x22: {  	[simem:s7], [sflag:s8] =	dma.local @!p0 [hbm:s6], $0xF7A  }
0x23: {  	s9 =	sor.u32 $0xD0000000, s2;
	s6 =	simm.s32 $0x108;
	_ =	swait.ge @!p0 [sflag:s8], $0x0  }
0x24: {  	s3 =	sadd.s32 $0x88, s3;
	s6 =	simm.s32 @!p1 $0x1082;
	[sflag:s4] =	ssyncset.s32 $0xFFFFF086  }
0x25: {  	[simem:s6], [sflag:s4] =	dma.local [hbm:s3], $0xF7A  }
0x26: {  	[smem:$0x3F9D] =	sst s1;
	(tag) =	ssettag s2;
	_ =	strace s9  }
0x27: {  	s1 =	sld [smem:$0x3FAD]  }
0x28: {  	s2 =	sld [smem:$0x3FAE]  }
0x29: {  	s4 =	sld [smem:$0x3FB0]  }
0x2a: {  	p0 =	seq.s32 s5, $0x0;
	s5 =	sld [smem:$0x3FB1]  }
0x2b: {  	s6 =	sld [smem:$0x3FB2]  }
0x2c: {  	s7 =	sld [smem:$0x3FB3]  }
0x2d: {  	s3 =	simm.s32 $0x108;
	s8 =	sld [smem:$0x3FB4]  }
0x2e: {  	s3 =	simm.s32 @!p0 $0x1082;
	s9 =	sld [smem:$0x3FB5]  }
0x2f: {  	lr =	sadd.s32 s0, s3;
	s0 =	sld [smem:$0x3FAC]  }
0x30: {  	s3 =	sld [smem:$0x3FAF]  }
0x31: {  	[smem:$0x3FB8] =	sst s10  }
0x32: {  	s10 =	sld [smem:$0x3FB6];
	_ =	sdelay $0x3  }
0x33: {  	p0 =	seq.s32 s10, $0x1;
	s10 =	sld [smem:$0x3FB8];
	_ =	sdelay $0x3  }
0x34: {  	[smem:$0x3FB8] =	sst s10  }
0x35: {  	s10 =	sld [smem:$0x3FB7];
	_ =	sdelay $0x3  }
0x36: {  	p1 =	seq.s32 s10, $0x1;
	s10 =	sld [smem:$0x3FB8];
	_ =	sdelay $0x3  }
0x37: {  	[smem:$0x3FB8] =	sst s10  }
0x38: {  	s10 =	sld [smem:$0x3FB9]  }
0x39: {  	_ = 	snop;
	(pc) =	sbr.ind lr, $3  }
0x3a: {  	_ = 	snop  }
0x3b: {  	_ = 	snop  }
0x3c: {  	p2 =	seq.s32 s10, $0x1;
	s10 =	sld [smem:$0x3FB8]  }
0x3d: {  	_ =	shalt  }
0x3e: {  	_ =	shalt  }
0x3f: {  	_ =	shalt  }
0x40: {  	_ =	shalt  }
0x41: {  	_ =	shalt  }
0x42: {  	_ =	shalt  }
0x43: {  	_ =	shalt  }
0x44: {  	_ =	shalt  }
0x45: {  	_ =	shalt  }
0x46: {  	_ =	shalt  }
0x47: {  	_ =	shalt  }
0x48: {  	_ =	shalt  }
0x49: {  	_ =	shalt  }
0x4a: {  	_ =	shalt  }
0x4b: {  	_ =	shalt  }
0x4c: {  	_ =	shalt  }
0x4d: {  	_ =	shalt  }
0x4e: {  	_ =	shalt  }
0x4f: {  	_ =	shalt  }
0x50: {  	_ =	shalt  }
0x51: {  	_ =	shalt  }
0x52: {  	_ =	shalt  }
0x53: {  	_ =	shalt  }
0x54: {  	_ =	shalt  }
0x55: {  	_ =	shalt  }
0x56: {  	_ =	shalt  }
0x57: {  	_ =	shalt  }
0x58: {  	_ =	shalt  }
0x59: {  	_ =	shalt  }
0x5a: {  	_ =	shalt  }
0x5b: {  	_ =	shalt  }
0x5c: {  	_ =	shalt  }
0x5d: {  	_ =	shalt  }
0x5e: {  	_ =	shalt  }
0x5f: {  	_ =	shalt  }
0x60: {  	_ =	shalt  }
0x61: {  	_ =	shalt  }
0x62: {  	_ =	shalt  }
0x63: {  	_ =	shalt  }
0x64: {  	_ =	shalt  }
0x65: {  	_ =	shalt  }
0x66: {  	_ =	shalt  }
0x67: {  	_ =	shalt  }
0x68: {  	_ =	shalt  }
0x69: {  	_ =	shalt  }
0x6a: {  	_ =	shalt  }
0x6b: {  	_ =	shalt  }
0x6c: {  	_ =	shalt  }
0x6d: {  	_ =	shalt  }
0x6e: {  	_ =	shalt  }
0x6f: {  	_ =	shalt  }
0x70: {  	_ =	shalt  }
0x71: {  	_ =	shalt  }
0x72: {  	_ =	shalt  }
0x73: {  	_ =	shalt  }
0x74: {  	_ =	shalt  }
0x75: {  	_ =	shalt  }
0x76: {  	_ =	shalt  }
0x77: {  	_ =	shalt  }
0x78: {  	_ =	shalt  }
0x79: {  	_ =	shalt  }
0x7a: {  	_ =	shalt  }
0x7b: {  	_ =	shalt  }
0x7c: {  	_ =	shalt  }
0x7d: {  	_ =	shalt  }
0x7e: {  	_ =	shalt  }
0x7f: {  	_ =	shalt  }
0x80: {  	_ =	shalt  }
0x81: {  	_ =	shalt  }
0x82: {  	_ =	shalt  }
0x83: {  	_ =	shalt  }
0x84: {  	_ =	shalt  }
0x85: {  	_ =	shalt  }
0x86: {  	_ =	shalt  }
0x87: {  	_ =	shalt  }
.Lfunc_end0:
.L_simem_size_0:
called_computation.1_lowered:
.L_overlay_start_0:
0x88: {  	s2 =	sld [smem:$0x3FD9]  }
0x89: {  	s3 =	sld [smem:$0x3FFE];
	_ =	sdelay $0x1  }
0x8a: {  	s1 =	srdreg.scid  }
0x8b: {  	s0 =	sand.u32 $0x1, s1  }
0x8c: {  	s17 =	sshll.u32 s0, $0xA;
	s2 =	sadd.s32 s3, s2  }
0x8d: {  	s2 =	sadd.s32 s2, s17  }
0x8e: {  	[smem:$0x3FC4] =	sst s2  }
0x8f: {  	_ = 	snop  }
0x90: {  	s2 =	sld [smem:$0x3FD0];
	(tm) =	ssettm $0x1  }
0x91: {  	s18 =	sld [smem:$0x3FFB];
	_ =	sdelay $0x3  }
0x92: {  	_ =	strace s18  }
0x93: {  	s3 =	sld [smem:$0x3FFC];
	_ =	sdelay $0x3  }
0x94: {  	_ =	strace s3  }
0x95: {  	s3 =	sld [smem:$0x3FFD];
	_ =	sdelay $0x3  }
0x96: {  	_ =	strace s3  }
0x97: {  	_ =	strace $0x8FFFFFFF  }
0x98: {  	s19 =	sld [smem:$0x3FDB];
	_ =	sdelay $0x1  }
0x99: {  	s4 =	simm.s32 $_scs_section_size  }
0x9a: {  	s5 =	simm.s32 $_size__tile_overlayer_lowered;
	s6 =	simm.s32 $_tile_overlayer_lowered  }
0x9b: {  	s22 =	simm.s32 $0x1BFF;
	s21 =	sshll.u32 s6, $0x1;
	s3 =	sadd.s32 s4, s19  }
0x9c: {  	s7 =	simm.s32 $0x0;
	s20 =	sshll.u32 s5, $0x1;
	s5 =	sadd.s32 s21, s3  }
0x9d: {  	[timem:s7], [sflag:s22] =	dma.local [hbm:s5], s20  }
0x9e: {  	_ =	swait.ge [sflag:s22], s20  }
0x9f: {  	s4 =	ssub.s32 $0x0, s20;
	[sflag:s22] =	ssyncset.done $0x0  }
0xa0: {  	[sflag:s22] =	ssyncadd.s32 s4;
	_ =	sdelay $0x1  }
0xa1: {  	s23 =	simm.s32 $0x1B8B  }
0xa2: {  	_ =	swait.ge [sflag:s23], $0x1  }
0xa3: {  	[sflag:s23] =	ssyncset.done $0x0  }
0xa4: {  	s25 =	simm.s32 $0x1B8E;
	s24 =	sld [smem:$0x3FFE];
	[sflag:s23] =	ssyncadd.s32 $0xFFFFFFFF  }
0xa5: {  	s26 =	simm.s32 $execute0_lowered;
	[smem:$0x3FD2] =	sst s25  }
0xa6: {  	s5 =	sshll.u32 s26, $0x1;
	_ =	strace $0x80000049;
	[dreg:$0x1] =	wrdreg $0xFFFFFFFF  }
0xa7: {  	s28 =	simm.s32 $_size_execute0_lowered;
	s3 =	sadd.s32 s3, s5;
	[dreg:$0x0] =	wrdreg $0x0  }
0xa8: {  	s5 =	sshll.u32 s28, $0x1;
	[dreg:$0x2] =	wrdreg s3  }
0xa9: {  	[dreg:$0x3] =	wrdreg s5  }
0xaa: {  	[dreg:$0x4] =	wrdreg $0xC0  }
0xab: {  	_ =	task [dreg:s7], $0x5FFFF  }
0xac: {  	[dreg:$0x1] =	wrdreg $0xFFFFFFFF  }
0xad: {  	[dreg:$0x0] =	wrdreg $0x60  }
0xae: {  	[dreg:$0x2] =	wrdreg s24  }
0xaf: {  	[dreg:$0x3] =	wrdreg s2  }
0xb0: {  	[dreg:$0x4] =	wrdreg $0xB0000  }
0xb1: {  	[dreg:$0x5] =	wrdreg $0x9  }
0xb2: {  	_ =	task.clear_ibuf [dreg:s7], $0x6FFFF;
	_ =	strace $0x90000049  }
0xb3: {  	s29 =	simm.s32 $0x9;
	_ =	strace $0x8000004B  }
0xb4: {  	_ =	swait.ge [sflag:s29], $0x1  }
0xb5: {  	[sflag:s29] =	ssyncadd.s32 $0xFFFFFFFF  }
0xb6: {  	_ =	strace $0x9000004B  }
0xb7: {  	_ =	sfence  }
0xb8: {  	s30 =	sld [smem:$0x0];
	_ =	sdelay $0x2  }
0xb9: {  	s31 =	sshll.u32 s1, $0xD;
	s1 =	sshrl.u32 s1, $0x2  }
0xba: {  	s3 =	sand.u32 $0x4000, s31;
	s1 =	sadd.s32 s1, s30  }
0xbb: {  	s0 =	sor.u32 s3, s0;
	s1 =	sshll.u32 s1, $0x11  }
0xbc: {  	s0 =	sor.u32 s1, s0  }
0xbd: {  	s0 =	sadd.s32 $0x8F2B, s0  }
0xbe: {  	[sflag:s0] =	ssyncadd.remote.s32 $0x1  }
0xbf: {  	_ =	sfence.sel $0xFFFF  }
0xc0: {  	[dreg:$0x0] =	wrdreg $0xFFFFFFFF;
	(pc) =	sbr.abs _section_cstart, $3  }
0xc1: {  	[dreg:$0x1] =	wrdreg $0xFFFFFFFF  }
0xc2: {  	_ =	task.clear_ibuf [dreg:s7], $0x2FFFF;
	_ =	strace $0x9FFFFFFF  }
0xc3: {  	(tm) =	ssettm $0x7FFFFFFF  }
tec
execute0_lowered:
.L_overlay_start_1:
0x0: {  	(tag) =	ssettag $0x1  }
0x1: {  	s5 =	rddreg [dreg:$0x0]  }
0x2: {  	s9 =	rddreg [dreg:$0x1]  }
0x3: {  	s1 =	rddreg [dreg:$0x2]  }
0x4: {  	s0 =	rddreg [dreg:$0x3];
	s3 =	simm.s32 $0x0;
	s6 =	srdreg.scid  }
0x5: {  	s2 =	stileid.u32;
	s14 =	simm.s32 $0xA800;
	s15 =	simm.s32 $0x50  }
0x6: {  	s16 =	simm.s32 $0x8000;
	s17 =	simm.s32 $0x1;
	s21 =	simm.s32 $0x0  }
0x7: {  	[smem:$0x7FF] =	sst s3;
	s4 =	sadd.s32 $0x35000, s5;
	s11 =	smul.u32 $0x4E000, s2  }
0x8: {  	s6 =	sand.u32 $0x1, s6;
	s7 =	sshll.u32 s2, $0xC;
	s28 =	smul.u32 $0x13800, s2  }
0x9: {  	p0 =	sne.s32 s2, $0xF;
	s18 =	sshll.u32 s2, $0x6;
	_ =	strace $0x8000004A  }
0xa: {  	s8 =	sshll.u32 s6, $0xB;
	s10 =	ssub.s32 $0x2, s6;
	s12 =	smul.u32 $0x138800, s6  }
0xb: {  	s18 =	sor.u32 $0x1C02, s18;
	s7 =	sor.u32 s8, s7;
	s25 =	sshrl.u32 s10, $0x1  }
0xc: {  	s29 =	sshrl.u32 s11, $0x2;
	s8 =	sadd.s32 $0x138000, s1;
	s26 =	sadd.s32 s7, s5  }
0xd: {  	s13 =	ssub.s32 s10, s25;
	s7 =	sadd.s32 s29, s1;
	s30 =	sadd.s32 s28, s12  }
0xe: {  	s31 =	sshrl.u32 s12, $0x3;
	s12 =	simm.s32 $0x2;
	s20 =	sshrl.u32 @!p0 s8, $0x3  }
0xf: {  	s5 =	sadd.s32 $0x25000, s26;
	s6 =	sadd.s32 $0x15000, s26;
	s10 =	sshrl.u32 s30, $0x3  }
0x10: {  	s11 =	sadd.s32 s9, s31;
	s19 =	sshrl.u32 s7, $0x3;
	s9 =	sadd.s32 s9, s10  }
0x11: {  	v0 =	vimm.f32 $0.0e+00;
	s10 =	sadd.s32 $0x27000, s11;
	s11 =	smax.u32 s13, $0x1;
	s13 =	simm.s32 $0x4000  }
.LBB2_1:
0x12: {  	[tilespmem:s3], [sflag:$0x2] =	stream.linear.gather [hbm4b:s5+s3], $0x3E80, $0x38;
	[tilespmem:$0x1E880] =	vst v63  }
0x13: {  	_ =	swait.ge [sflag:s12], $0x3E80  }
0x14: {  	[sflag:s12] =	ssyncset.done $0x0  }
0x15: {  	[sflag:s12] =	ssyncadd.s32 $0xFFFFC180  }
0x16: {  	[tilespmem:s13], [sflag:$0x2] =	stream.linear.gather [hbm4b:s6+s3], $0x3E80, $0x38;
	[tilespmem:$0x1E880] =	vst v63  }
0x17: {  	_ =	swait.ge [sflag:s12], $0x3E80  }
0x18: {  	[sflag:s12] =	ssyncset.done $0x0  }
0x19: {  	[sflag:s12] =	ssyncadd.s32 $0xFFFFC180  }
0x1a: {  	[tilespmem:$0xA800] =	vst v0  }
0x1b: {  	[tilespmem:$0xA810] =	vst v0  }
0x1c: {  	[tilespmem:$0xA820] =	vst v0  }
0x1d: {  	[tilespmem:$0xA830] =	vst v0  }
0x1e: {  	[tilespmem:$0xA840] =	vst v0  }
0x1f: {  	[tilespmem:$0xA850] =	vst v0  }
0x20: {  	[tilespmem:$0xA860] =	vst v0  }
0x21: {  	[tilespmem:$0xA870] =	vst v0  }
0x22: {  	[tilespmem:$0xA880] =	vst v0  }
0x23: {  	[tilespmem:$0xA890] =	vst v0  }
0x24: {  	[tilespmem:$0xA8A0] =	vst v0  }
0x25: {  	[tilespmem:$0xA8B0] =	vst v0  }
0x26: {  	[tilespmem:$0xA8C0] =	vst v0  }
0x27: {  	[tilespmem:$0xA8D0] =	vst v0  }
0x28: {  	[tilespmem:$0xA8E0] =	vst v0  }
0x29: {  	[tilespmem:$0xA8F0] =	vst v0  }
0x2a: {  	[tilespmem:$0xA900] =	vst v0  }
0x2b: {  	[tilespmem:$0xA910] =	vst v0  }
0x2c: {  	[tilespmem:$0xA920] =	vst v0  }
0x2d: {  	[tilespmem:$0xA930] =	vst v0  }
0x2e: {  	[tilespmem:$0xA940] =	vst v0  }
0x2f: {  	[tilespmem:$0xA950] =	vst v0  }
0x30: {  	[tilespmem:$0xA960] =	vst v0  }
0x31: {  	[tilespmem:$0xA970] =	vst v0  }
0x32: {  	[tilespmem:$0xA980] =	vst v0  }
0x33: {  	[tilespmem:$0xA990] =	vst v0  }
0x34: {  	[tilespmem:$0xA9A0] =	vst v0  }
0x35: {  	[tilespmem:$0xA9B0] =	vst v0  }
0x36: {  	[tilespmem:$0xA9C0] =	vst v0  }
0x37: {  	[tilespmem:$0xA9D0] =	vst v0  }
0x38: {  	[tilespmem:$0xA9E0] =	vst v0  }
0x39: {  	[tilespmem:$0xA9F0] =	vst v0  }
0x3a: {  	[tilespmem:$0xAA00] =	vst v0  }
0x3b: {  	[tilespmem:$0xAA10] =	vst v0  }
0x3c: {  	[tilespmem:$0xAA20] =	vst v0  }
0x3d: {  	[tilespmem:$0xAA30] =	vst v0  }
0x3e: {  	[tilespmem:$0xAA40] =	vst v0  }
0x3f: {  	[tilespmem:$0xAA50] =	vst v0  }
0x40: {  	[tilespmem:$0xAA60] =	vst v0  }
0x41: {  	[tilespmem:$0xAA70] =	vst v0  }
0x42: {  	[tilespmem:$0xAA80] =	vst v0  }
0x43: {  	[tilespmem:$0xAA90] =	vst v0  }
0x44: {  	[tilespmem:$0xAAA0] =	vst v0  }
0x45: {  	[tilespmem:$0xAAB0] =	vst v0  }
0x46: {  	[tilespmem:$0xAAC0] =	vst v0  }
0x47: {  	[tilespmem:$0xAAD0] =	vst v0  }
0x48: {  	[tilespmem:$0xAAE0] =	vst v0  }
0x49: {  	[tilespmem:$0xAAF0] =	vst v0  }
0x4a: {  	[tilespmem:$0xAB00] =	vst v0  }
0x4b: {  	[tilespmem:$0xAB10] =	vst v0  }
0x4c: {  	[tilespmem:$0xAB20] =	vst v0  }
0x4d: {  	[tilespmem:$0xAB30] =	vst v0  }
0x4e: {  	[tilespmem:$0xAB40] =	vst v0  }
0x4f: {  	[tilespmem:$0xAB50] =	vst v0  }
0x50: {  	[tilespmem:$0xAB60] =	vst v0  }
0x51: {  	[tilespmem:$0xAB70] =	vst v0  }
0x52: {  	[tilespmem:$0xAB80] =	vst v0  }
0x53: {  	[tilespmem:$0xAB90] =	vst v0  }
0x54: {  	[tilespmem:$0xABA0] =	vst v0  }
0x55: {  	[tilespmem:$0xABB0] =	vst v0  }
0x56: {  	[tilespmem:$0xABC0] =	vst v0  }
0x57: {  	[tilespmem:$0xABD0] =	vst v0  }
0x58: {  	[tilespmem:$0xABE0] =	vst v0  }
0x59: {  	[tilespmem:$0xABF0] =	vst v0  }
0x5a: {  	[tilespmem:$0xAC00] =	vst v0  }
0x5b: {  	[tilespmem:$0xAC10] =	vst v0  }
0x5c: {  	[tilespmem:$0xAC20] =	vst v0  }
0x5d: {  	[tilespmem:$0xAC30] =	vst v0  }
0x5e: {  	[tilespmem:$0xAC40] =	vst v0  }
0x5f: {  	[tilespmem:$0xAC50] =	vst v0  }
0x60: {  	[tilespmem:$0xAC60] =	vst v0  }
0x61: {  	[tilespmem:$0xAC70] =	vst v0  }
0x62: {  	[tilespmem:$0xAC80] =	vst v0  }
0x63: {  	[tilespmem:$0xAC90] =	vst v0  }
0x64: {  	[tilespmem:$0xACA0] =	vst v0  }
0x65: {  	[tilespmem:$0xACB0] =	vst v0  }
0x66: {  	[tilespmem:$0xACC0] =	vst v0  }
0x67: {  	[tilespmem:$0xACD0] =	vst v0  }
0x68: {  	[tilespmem:$0xACE0] =	vst v0  }
0x69: {  	[tilespmem:$0xACF0] =	vst v0  }
0x6a: {  	[tilespmem:$0xAD00] =	vst v0  }
0x6b: {  	[tilespmem:$0xAD10] =	vst v0  }
0x6c: {  	[tilespmem:$0xAD20] =	vst v0  }
0x6d: {  	[tilespmem:$0xAD30] =	vst v0  }
0x6e: {  	[tilespmem:$0xAD40] =	vst v0  }
0x6f: {  	[tilespmem:$0xAD50] =	vst v0  }
0x70: {  	[tilespmem:$0xAD60] =	vst v0  }
0x71: {  	[tilespmem:$0xAD70] =	vst v0  }
0x72: {  	[tilespmem:$0xAD80] =	vst v0  }
0x73: {  	[tilespmem:$0xAD90] =	vst v0  }
0x74: {  	[tilespmem:$0xADA0] =	vst v0  }
0x75: {  	[tilespmem:$0xADB0] =	vst v0  }
0x76: {  	[tilespmem:$0xADC0] =	vst v0  }
0x77: {  	[tilespmem:$0xADD0] =	vst v0  }
0x78: {  	[tilespmem:$0xADE0] =	vst v0  }
0x79: {  	[tilespmem:$0xADF0] =	vst v0  }
0x7a: {  	[tilespmem:$0xAE00] =	vst v0  }
0x7b: {  	[tilespmem:$0xAE10] =	vst v0  }
0x7c: {  	[tilespmem:$0xAE20] =	vst v0  }
0x7d: {  	[tilespmem:$0xAE30] =	vst v0  }
0x7e: {  	[tilespmem:$0xAE40] =	vst v0  }
0x7f: {  	[tilespmem:$0xAE50] =	vst v0  }
0x80: {  	[tilespmem:$0xAE60] =	vst v0  }
0x81: {  	[tilespmem:$0xAE70] =	vst v0  }
0x82: {  	[tilespmem:$0xAE80] =	vst v0  }
0x83: {  	[tilespmem:$0xAE90] =	vst v0  }
0x84: {  	[tilespmem:$0xAEA0] =	vst v0  }
0x85: {  	[tilespmem:$0xAEB0] =	vst v0  }
0x86: {  	[tilespmem:$0xAEC0] =	vst v0  }
0x87: {  	[tilespmem:$0xAED0] =	vst v0  }
0x88: {  	[tilespmem:$0xAEE0] =	vst v0  }
0x89: {  	[tilespmem:$0xAEF0] =	vst v0  }
0x8a: {  	[tilespmem:$0xAF00] =	vst v0  }
0x8b: {  	[tilespmem:$0xAF10] =	vst v0  }
0x8c: {  	[tilespmem:$0xAF20] =	vst v0  }
0x8d: {  	[tilespmem:$0xAF30] =	vst v0  }
0x8e: {  	[tilespmem:$0xAF40] =	vst v0  }
0x8f: {  	[tilespmem:$0xAF50] =	vst v0  }
0x90: {  	[tilespmem:$0xAF60] =	vst v0  }
0x91: {  	[tilespmem:$0xAF70] =	vst v0  }
0x92: {  	[tilespmem:$0xAF80] =	vst v0  }
0x93: {  	[tilespmem:$0xAF90] =	vst v0  }
0x94: {  	[tilespmem:$0xAFA0] =	vst v0  }
0x95: {  	[tilespmem:$0xAFB0] =	vst v0  }
0x96: {  	[tilespmem:$0xAFC0] =	vst v0  }
0x97: {  	[tilespmem:$0xAFD0] =	vst v0  }
0x98: {  	[tilespmem:$0xAFE0] =	vst v0  }
0x99: {  	s22 =	sadd.s32 $0x0, s7;
	[tilespmem:$0xAFF0] =	vst v0  }
0x9a: {  	[spmem:s22] =	stream.linear.scatter [tilespmem:s14], [sflag:$0x2], $0x800, $0x38;
	[tilespmem:$0x1E880] =	vst v63  }
0x9b: {  	s22 =	simm.s32 $0x2000;
	_ =	swait.ge [sflag:s12], $0x800  }
.LBB2_2:
0x9c: {  	s23 =	sshra.s32 s22, $0x2;
	[sflag:s12] =	ssyncset.done $0x0;
	p1 =	sne.s32 s22, $0x4C000  }
.Ltmp0:
0x9d: {  	s23 =	sadd.s32 s23, s7;
	[sflag:s12] =	ssyncadd.s32 $0xFFFFF800;
	(pc) =	sbr.rel @p1 .LBB2_2-.Ltmp0, $3  }
0x9e: {  	[spmem:s23] =	stream.linear.scatter [tilespmem:s14], [sflag:$0x2], $0x800, $0x38;
	[tilespmem:$0x1E880] =	vst v63  }
0x9f: {  	s22 =	sadd.s32 $0x2000, s22;
	_ =	sdelay $0x1  }
0xa0: {  	_ =	swait.ge [sflag:s12], $0x800  }
0xa1: {  	[sflag:s12] =	ssyncset.done $0x0  }
0xa2: {  	s22 =	simm.s32 @!p0 $0xA800;
	[sflag:s12] =	ssyncadd.s32 $0xFFFFF800  }
0xa3: {  	[spmem:s8] =	stream.linear.scatter @!p0 [tilespmem:s22], [sflag:$0x2], $0x800, $0x38;
	[tilespmem:$0x1E880] =	vst v63  }
0xa4: {  	s22 =	simm.s32 @!p0 $0x2  }
0xa5: {  	_ =	swait.ge @!p0 [sflag:s22], $0x800  }
0xa6: {  	[sflag:s22] =	ssyncset.done @!p0 $0x0  }
0xa7: {  	[sflag:s22] =	ssyncadd.s32 @!p0 $0xFFFFF800  }
0xa8: {  	s30 =	simm.s32 $0x0;
	[bflag:$0x0] =	sbarrier.arrive $0xFFFF  }
0xa9: {  	[tilespmem:s16], [sflag:$0x1] =	stream.indirect.gather [hbm4b:s4+s15], $0x80, s30, s15, $0xb8;
	[tilespmem:$0x1E880] =	vst v63  }
0xaa: {  	_ =	swait.ge [sflag:s17], $0x2800  }
0xab: {  	[sflag:s17] =	ssyncset.done $0x0  }
0xac: {  	s31 =	simm.s32 $0x4000;
	[sflag:s17] =	ssyncadd.s32 $0xFFFFD800  }
0xad: {  	[spmem:s1] =	stream.indirect.scatter.add.f32 [tilespmem:s16], [sflag:$0x2], $0x80, s31, s15, $0xb8;
	[tilespmem:$0x1E880] =	vst v63  }
0xae: {  	_ =	swait.ge [sflag:s12], $0x2800  }
0xaf: {  	s23 =	simm.s32 $0x400;
	s22 =	simm.s32 $0x200;
	[sflag:s12] =	ssyncset.done $0x0  }
.LBB2_4:
0xb0: {  	s24 =	sshra.s32 s22, $0x2  }
0xb1: {  	[sflag:s12] =	ssyncadd.s32 $0xFFFFD800;
	s22 =	smov.u32 s23;
	s25 =	sadd.s32 $0x200, s23  }
0xb2: {  	[tilespmem:s16], [sflag:$0x1] =	stream.indirect.gather [hbm4b:s4+s15], $0x80, s24, s15, $0xb8;
	[tilespmem:$0x1E880] =	vst v63  }
0xb3: {  	p1 =	sne.s32 s23, $0xF800;
	_ =	swait.ge [sflag:s17], $0x2800  }
.Ltmp1:
0xb4: {  	[sflag:s17] =	ssyncset.done $0x0;
	(pc) =	sbr.rel @p1 .LBB2_4-.Ltmp1, $4  }
0xb5: {  	s23 =	sadd.s32 $0x4000, s24;
	[sflag:s17] =	ssyncadd.s32 $0xFFFFD800  }
0xb6: {  	[spmem:s1] =	stream.indirect.scatter.add.f32 [tilespmem:s16], [sflag:$0x2], $0x80, s23, s15, $0xb8;
	[tilespmem:$0x1E880] =	vst v63  }
0xb7: {  	_ =	swait.ge [sflag:s12], $0x2800  }
0xb8: {  	s23 =	smov.u32 s25;
	[sflag:s12] =	ssyncset.done $0x0  }
0xb9: {  	s22 =	sshra.s32 s22, $0x2;
	[sflag:s12] =	ssyncadd.s32 $0xFFFFD800  }
0xba: {  	[tilespmem:s16], [sflag:$0x1] =	stream.indirect.gather [hbm4b:s4+s15], $0x80, s22, s15, $0xb8;
	[tilespmem:$0x1E880] =	vst v63  }
0xbb: {  	_ =	swait.ge [sflag:s17], $0x2800  }
0xbc: {  	[sflag:s17] =	ssyncset.done $0x0  }
0xbd: {  	s22 =	sadd.s32 $0x4000, s22;
	[sflag:s17] =	ssyncadd.s32 $0xFFFFD800  }
0xbe: {  	[spmem:s1] =	stream.indirect.scatter.add.f32 [tilespmem:s16], [sflag:$0x2], $0x80, s22, s15, $0xb8;
	[tilespmem:$0x1E880] =	vst v63  }
0xbf: {  	_ =	swait.ge [sflag:s12], $0x2800  }
0xc0: {  	[sflag:s12] =	ssyncset.done $0x0  }
0xc1: {  	[sflag:s12] =	ssyncadd.s32 $0xFFFFD800  }
0xc2: {  	[bflag:$0x0] =	sbarrier.arrive $0xFFFF  }
0xc3: {  	[hbm:s9], [sflag:s18] =	dma.local [spmem:s19], $0x2700  }
0xc4: {  	s21 =	sadd.s32 $0x1, s21;
	_ =	swait.ge [sflag:s12], $0x2700  }
0xc5: {  	p1 =	sne.s32 s21, s11;
	[sflag:s12] =	ssyncset.done $0x0  }
.Ltmp2:
0xc6: {  	s22 =	simm.s32 @!p0 $0x2;
	[sflag:s12] =	ssyncadd.s32 $0xFFFFD900;
	(pc) =	sbr.rel @p1 .LBB2_1-.Ltmp2, $4  }
0xc7: {  	[hbm:s10], [sflag:s18] =	dma.local @!p0 [spmem:s20], $0x100  }
0xc8: {  	_ =	swait.ge @!p0 [sflag:s22], $0x100  }
0xc9: {  	[sflag:s22] =	ssyncset.done @!p0 $0x0  }
0xca: {  	[sflag:s22] =	ssyncadd.s32 @!p0 $0xFFFFFF00  }
0xcb: {  	_ =	sfence.sel $0x180000  }
0xcc: {  	[bflag:$0x0] =	sbarrier.arrive $0xFFFF  }
0xcd: {  	p0 =	sne.s32 s2, $0x0;
	_ =	strace $0x9000004A  }
0xce: {  	s0 =	sadd.s32 @!p0 $0x100000, s0;
	[bflag:$0x2] =	sbarrier.arrive $0xFFFF  }
0xcf: {  	[sflag:s0] =	ssyncadd.tile.s32 @!p0 $0x1;
	_ =	shalt  }
.Lfunc_end2:
_tile_overlayer_lowered:
.L_overlay_start_2:
0xd0: {  	(tag) =	ssettag $0x2  }
0xd1: {  	s0 =	rddreg [dreg:$0x0];
	s2 =	stileid.u32  }
0xd2: {  	s1 =	rddreg [dreg:$0x1];
	p0 =	sne.s32 s2, $0x0  }
0xd3: {  	s3 =	rddreg [dreg:$0x2];
	[bflag:$0x3] =	sbarrier.arrive $0xFFFF;
	s2 =	simm.s32 @!p0 $0x1C02  }
0xd4: {  	[timem:s3], [sflag:s2] =	dma.local @!p0 [hbm:s0], s1  }
0xd5: {  	s0 =	simm.s32 @!p0 $0x2  }
0xd6: {  	_ =	swait.ge @!p0 [sflag:s0], s1  }
0xd7: {  	s1 =	ssub.s32 @!p0 $0x0, s1;
	[sflag:s0] =	ssyncset.done @!p0 $0x0  }
0xd8: {  	[sflag:s0] =	ssyncadd.s32 @!p0 s1  }
0xd9: {  	[bflag:$0x3] =	sbarrier.arrive $0xFFFF  }
0xda: {  	_ =	shalt  }

</sc_bundles>
